<compile_context>
chip_gen: v7x
topology: tpu7x:2x2x1
jax: 0.10.2.dev20260603
libtpu: 0.0.44.dev20260713+nightly
codegen_flags: <defaults>
</compile_context>

<pallas_src>
import functools

import jax
import jax.numpy as jnp
import numpy as np
from jax import lax
from jax.experimental import pallas as pl
from jax.experimental.pallas import tpu as pltpu
from jax.experimental.pallas import tpu_sc as plsc

B, N, M, CIN, C1, C2 = 4, 16384, 1024, 32, 64, 64
BLK = 2048

_NC, _NS = 2, 16
_NW = _NC * _NS
_FLAT = 3 * B * N
_PER_W = _FLAT // _NW
_CHUNK = 2048
_NT = _PER_W // _CHUNK


def _knn_body(p_ref, c_ref, i_ref, w_ref):
    b = pl.program_id(0)
    p = p_ref[0]
    c = c_ref[0]
    pn2 = jnp.sum(p * p, axis=0)
    cm2 = jnp.sum(c * c, axis=0)
    cp = lax.dot_general(-2.0 * c, p, (((0,), (0,)), ((), ())),
                         preferred_element_type=jnp.float32)
    d2 = (cp + cm2[:, None]) + pn2[None, :]

    iota = lax.broadcasted_iota(jnp.int32, d2.shape, 0)
    inf = jnp.float32(np.inf)
    vals, idxs = [], []
    for k in range(3):
        v = jnp.min(d2, axis=0)
        i = jnp.min(jnp.where(d2 == v[None, :], iota, M), axis=0)
        vals.append(v)
        idxs.append(i)
        if k < 2:
            d2 = jnp.where(iota == i[None, :], inf, d2)

    w = [1.0 / (jnp.sqrt(jnp.maximum(v, 1e-10)) + 1e-8) for v in vals]
    wsum = w[0] + w[1] + w[2]
    i_ref[0] = jnp.concatenate([(i + b * M)[None] for i in idxs], axis=0)
    w_ref[0] = jnp.concatenate([(wi / wsum)[None] for wi in w], axis=0)


def _knn_call(points_coords, centers_coords):
    return pl.pallas_call(
        _knn_body,
        grid=(B, N // BLK),
        in_specs=[
            pl.BlockSpec((1, 3, BLK), lambda b, j: (b, 0, j)),
            pl.BlockSpec((1, 3, M), lambda b, j: (b, 0, 0)),
        ],
        out_specs=[
            pl.BlockSpec((1, 3, BLK), lambda b, j: (b, 0, j)),
            pl.BlockSpec((1, 3, BLK), lambda b, j: (b, 0, j)),
        ],
        out_shape=[
            jax.ShapeDtypeStruct((B, 3, N), jnp.int32),
            jax.ShapeDtypeStruct((B, 3, N), jnp.float32),
        ],
    )(points_coords, centers_coords)


_GB = 128
_NG = _CHUNK // _GB


def _sc_gather_body(table_hbm, idx_hbm, out_hbm, idx_v, rows_v, sem):
    wid = lax.axis_index("s") * _NC + lax.axis_index("c")

    def chunk(t, _):
        base = wid * _PER_W + t * _CHUNK
        pltpu.sync_copy(idx_hbm.at[pl.ds(base // _GB, _NG)], idx_v)
        copies = [
            pltpu.async_copy(table_hbm.at[idx_v.at[j]],
                             rows_v.at[pl.ds(j * _GB, _GB)], sem)
            for j in range(_NG)
        ]
        for c in copies:
            c.wait()
        pltpu.sync_copy(rows_v, out_hbm.at[pl.ds(base, _CHUNK)])
        return ()

    lax.fori_loop(0, _NT, chunk, ())


@functools.cache
def _sc_gather():
    return pl.kernel(
        _sc_gather_body,
        out_type=jax.ShapeDtypeStruct((_FLAT, CIN), jnp.float32),
        mesh=plsc.VectorSubcoreMesh(core_axis_name="c", subcore_axis_name="s",
                                    num_cores=_NC, num_subcores=_NS),
        scratch_types=[
            pltpu.VMEM((_NG, _GB), jnp.int32),
            pltpu.VMEM((_CHUNK, CIN), jnp.float32),
            pltpu.SemaphoreType.DMA,
        ],
        compiler_params=pltpu.CompilerParams(use_tc_tiling_on_sc=False),
    )


def _mlp_body(g_ref, w_ref, w1_ref, b1_ref, w2_ref, b2_ref, o_ref):
    g = g_ref[0]
    w = w_ref[0]
    x = (g[0] * w[0][:, None] + g[1] * w[1][:, None] + g[2] * w[2][:, None])
    xt = jnp.swapaxes(x, 0, 1)
    h1 = jnp.maximum(
        lax.dot_general(w1_ref[...], xt, (((1,), (0,)), ((), ())),
                        preferred_element_type=jnp.float32) + b1_ref[...], 0.0)
    h2 = jnp.maximum(
        lax.dot_general(w2_ref[...], h1, (((1,), (0,)), ((), ())),
                        preferred_element_type=jnp.float32) + b2_ref[...], 0.0)
    o_ref[0] = h2


BLKC = 4096


def _mlp_call(gath, w, W1, b1, W2, b2):
    return pl.pallas_call(
        _mlp_body,
        grid=(B, N // BLKC),
        in_specs=[
            pl.BlockSpec((1, 3, BLKC, CIN), lambda b, j: (b, 0, j, 0)),
            pl.BlockSpec((1, 3, BLKC), lambda b, j: (b, 0, j)),
            pl.BlockSpec((C1, CIN), lambda b, j: (0, 0)),
            pl.BlockSpec((C1, 1), lambda b, j: (0, 0)),
            pl.BlockSpec((C2, C1), lambda b, j: (0, 0)),
            pl.BlockSpec((C2, 1), lambda b, j: (0, 0)),
        ],
        out_specs=pl.BlockSpec((1, C2, BLKC), lambda b, j: (b, 0, j)),
        out_shape=jax.ShapeDtypeStruct((B, C2, N), jnp.float32),
    )(gath, w, W1, b1.reshape(C1, 1), W2, b2.reshape(C2, 1))


def kernel(points_coords, centers_coords, centers_features, condition, W1, b1, W2, b2):
    idx, w = _knn_call(points_coords, centers_coords)
    table = jnp.swapaxes(centers_features, 1, 2).reshape(B * M, CIN)
    gath = _sc_gather()(table, idx.reshape(_FLAT // _GB, _GB))
    x = _mlp_call(gath.reshape(B, 3, N, CIN), w, W1, b1, W2, b2)
    return (x, points_coords, condition)

# --- scband reference (transcript-rebuilt; emitter-appended) ---
"""Pipeline reference for scband-point-net-fpmodule-24764781429155 (READ-ONLY COPY).

The authoritative reference and input builder live on the scoring server;
editing this copy changes nothing except your own understanding.
"""

import jax, jax.numpy as jnp
import numpy as np

B, N, M, CIN, C1, C2 = 4, 16384, 1024, 32, 64, 64


def setup_inputs(seed: int = 0) -> dict:
    key = jax.random.key(seed)
    ks = jax.random.split(key, 6)
    points_coords = jax.random.normal(ks[0], (B, 3, N), dtype=jnp.float32)
    centers_coords = jax.random.normal(ks[1], (B, 3, M), dtype=jnp.float32)
    centers_features = jax.random.normal(ks[2], (B, CIN, M), dtype=jnp.float32)
    condition = jnp.zeros((B, 16), dtype=jnp.float32)
    W1 = jax.random.normal(ks[3], (C1, CIN), dtype=jnp.float32) * 0.1
    b1 = jnp.zeros((C1,), dtype=jnp.float32)
    W2 = jax.random.normal(ks[4], (C2, C1), dtype=jnp.float32) * 0.1
    b2 = jnp.zeros((C2,), dtype=jnp.float32)
    return {"points_coords": points_coords, "centers_coords": centers_coords,
            "centers_features": centers_features, "condition": condition,
            "W1": W1, "b1": b1, "W2": W2, "b2": b2}


def _nn_interpolate(points_coords, centers_coords, centers_features):
    # points_coords: [B,3,N], centers_coords: [B,3,M], centers_features: [B,C,M]
    p = jnp.swapaxes(points_coords, 1, 2)   # [B,N,3]
    c = jnp.swapaxes(centers_coords, 1, 2)  # [B,M,3]
    d2 = (jnp.sum(p * p, axis=-1, keepdims=True)
          - 2.0 * jnp.einsum('bnd,bmd->bnm', p, c)
          + jnp.sum(c * c, axis=-1)[:, None, :])  # [B,N,M]
    neg_top, idx = jax.lax.top_k(-d2, 3)         # 3 nearest centers per point
    dist = jnp.sqrt(jnp.maximum(-neg_top, 1e-10))
    w = 1.0 / (dist + 1e-8)
    w = w / jnp.sum(w, axis=-1, keepdims=True)    # [B,N,3]
    feats = jnp.take_along_axis(centers_features[:, :, None, :], idx[:, None, :, :], axis=3)  # [B,C,N,3]
    return jnp.sum(feats * w[:, None, :, :], axis=3)  # [B,C,N]


def reference(points_coords, centers_coords, centers_features, condition, W1, b1, W2, b2):
    x = _nn_interpolate(points_coords, centers_coords, centers_features)
    # SharedMLP: 1x1 conv + ReLU stack (c_dim=-1 -> no adaGN, condition unused)
    x = jax.nn.relu(jnp.einsum('oc,bcn->bon', W1, x) + b1[None, :, None])
    x = jax.nn.relu(jnp.einsum('oc,bcn->bon', W2, x) + b2[None, :, None])
    return (x, points_coords, condition)

if __name__ == "__main__":
    import jax
    _d = setup_inputs()
    print(jax.jit(kernel)(*tuple(_d.values())))

</pallas_src>

<mosaic_0001>
#map = affine_map<(d0, d1) -> (0, 0)>
module attributes {stable_mosaic.version = 14 : i64} {
  func.func @_sc_gather_body(%arg0: i32, %arg1: i32, %arg2: memref<4096x32xf32, #tpu.memory_space<hbm>>, %arg3: memref<1536x128xi32, #tpu.memory_space<hbm>>, %arg4: memref<196608x32xf32, #tpu.memory_space<hbm>>, %arg5: memref<16x128xi32, #tpu.memory_space<vmem>>, %arg6: memref<2048x32xf32, #tpu.memory_space<vmem>>, %arg7: memref<!tpu.dma_semaphore, #tpu.memory_space<semaphore_mem>>) attributes {dimension_semantics = [#tpu.dimension_semantics<core_parallel>, #tpu.dimension_semantics<subcore_parallel>], iteration_bounds = array<i64: 2, 16>, scalar_prefetch = 0 : i64, scratch_operands = 3 : i64, tpu.core_type = #tpu.core_type<sc_vector_subcore>, window_params = [{transform_indices = #map}, {transform_indices = #map}, {transform_indices = #map}]} {
    %mul3A = arith.constant 2 : i32
    %mul3A_0 = arith.muli %arg1, %mul3A : i32
    %add3A = arith.addi %mul3A_0, %arg0 : i32
    %scan3A = arith.constant 0 : i32
    %scan3A_1 = arith.constant 3 : i32
    %scan3A_2 = arith.addi %scan3A, %scan3A_1 : i32
    %scan3A_3 = arith.constant 1 : i32
    scf.for %scan3A_5 = %scan3A to %scan3A_2 step %scan3A_3  : i32 {
      %mul3A_6 = arith.constant 6144 : i32
      %mul3A_7 = arith.muli %add3A, %mul3A_6 : i32
      %mul3A_8 = arith.constant 2048 : i32
      %mul3A_9 = arith.muli %scan3A_5, %mul3A_8 : i32
      %add3A_10 = arith.addi %mul3A_7, %mul3A_9 : i32
      %jit3A = arith.constant 128 : i32
      %div3A = arith.divsi %add3A_10, %jit3A : i32
      %sign3A = arith.constant 0 : i32
      %sign3A_11 = arith.cmpi sgt, %add3A_10, %sign3A : i32
      %sign3A_12 = arith.extui %sign3A_11 : i1 to i32
      %sign3A_13 = arith.constant 0 : i32
      %sign3A_14 = arith.cmpi slt, %add3A_10, %sign3A_13 : i32
      %sign3A_15 = arith.extui %sign3A_14 : i1 to i32
      %sign3A_16 = arith.subi %sign3A_12, %sign3A_15 : i32
      %sign3A_17 = arith.constant 0 : i32
      %sign3A_18 = arith.cmpi sgt, %jit3A, %sign3A_17 : i32
      %sign3A_19 = arith.extui %sign3A_18 : i1 to i32
      %sign3A_20 = arith.constant 0 : i32
      %sign3A_21 = arith.cmpi slt, %jit3A, %sign3A_20 : i32
      %sign3A_22 = arith.extui %sign3A_21 : i1 to i32
      %sign3A_23 = arith.subi %sign3A_19, %sign3A_22 : i32
      %ne3A = arith.cmpi ne, %sign3A_16, %sign3A_23 : i32
      %rem3A = arith.remsi %add3A_10, %jit3A : i32
      %ne3A_24 = arith.constant 0 : i32
      %ne3A_25 = arith.cmpi ne, %rem3A, %ne3A_24 : i32
      %and3A = arith.andi %ne3A, %ne3A_25 : i1
      %sub3A = arith.constant 1 : i32
      %sub3A_26 = arith.subi %div3A, %sub3A : i32
      %select_n3A = arith.select %and3A, %sub3A_26, %div3A : i32
      "tpu.region"() ({
        %run_scoped3A = tpu.sem_alloc : memref<!tpu.dma_semaphore, #tpu.memory_space<semaphore_mem>>
        %dma_start3A_345 = arith.constant 0 : i32
        %dma_start3A_346 = tpu.memref_slice %arg3[%select_n3A, %dma_start3A_345] : memref<1536x128xi32, #tpu.memory_space<hbm>> -> memref<16x128xi32, #tpu.memory_space<hbm>>
        %dma_start3A_347 = arith.constant 0 : i32
        %dma_start3A_348 = tpu.memref_slice %arg3[%select_n3A, %dma_start3A_347] : memref<1536x128xi32, #tpu.memory_space<hbm>> -> memref<16x128xi32, #tpu.memory_space<hbm>>
        tpu.enqueue_dma source(%dma_start3A_348 : memref<16x128xi32, #tpu.memory_space<hbm>>) target(%arg5 : memref<16x128xi32, #tpu.memory_space<vmem>>) target_semaphore(%run_scoped3A : memref<!tpu.dma_semaphore, #tpu.memory_space<semaphore_mem>>)
        %dma_wait3A_349 = arith.constant 0 : i32
        %dma_wait3A_350 = tpu.memref_slice %arg3[%select_n3A, %dma_wait3A_349] : memref<1536x128xi32, #tpu.memory_space<hbm>> -> memref<16x128xi32, #tpu.memory_space<hbm>>
        %dma_wait3A_351 = arith.constant 0 : i32
        %dma_wait3A_352 = tpu.memref_slice %arg3[%select_n3A, %dma_wait3A_351] : memref<1536x128xi32, #tpu.memory_space<hbm>> -> memref<16x128xi32, #tpu.memory_space<hbm>>
        tpu.wait_dma2 semaphore(%run_scoped3A : memref<!tpu.dma_semaphore, #tpu.memory_space<semaphore_mem>>) src(%dma_wait3A_352 : memref<16x128xi32, #tpu.memory_space<hbm>>) dst(%arg5 : memref<16x128xi32, #tpu.memory_space<vmem>>)
        tpu.yield
      }) : () -> ()
      %dma_start3A = arith.constant 0 : i32
      %dma_start3A_27 = arith.constant 0 : i32
      %dma_start3A_28 = arith.constant 0 : i32
      %dma_start3A_29 = tpu.memref_slice %arg6[%dma_start3A_27, %dma_start3A_28] : memref<2048x32xf32, #tpu.memory_space<vmem>> -> memref<128x32xf32, #tpu.memory_space<vmem>>
      %dma_start3A_30 = arith.constant 0 : i32
      %dma_start3A_31 = tpu.memref_slice %arg5[%dma_start3A, %dma_start3A_30] : memref<16x128xi32, #tpu.memory_space<vmem>> -> memref<1x128xi32, #tpu.memory_space<vmem>>
      %dma_start3A_32 = tpu.memref_squeeze %dma_start3A_31 : memref<1x128xi32, #tpu.memory_space<vmem>> -> memref<128xi32, #tpu.memory_space<vmem>>
      %dma_start3A_33 = arith.constant 0 : i32
      %dma_start3A_34 = arith.constant 0 : i32
      %dma_start3A_35 = tpu.memref_slice %arg2[%dma_start3A_33, %dma_start3A_34] : memref<4096x32xf32, #tpu.memory_space<hbm>> -> memref<4096x32xf32, #tpu.memory_space<hbm>>
      tpu.enqueue_indirect_dma source(%dma_start3A_35 : memref<4096x32xf32, #tpu.memory_space<hbm>>) target(%dma_start3A_29 : memref<128x32xf32, #tpu.memory_space<vmem>>) offsets(%dma_start3A_32 : memref<128xi32, #tpu.memory_space<vmem>>) semaphore(%arg7 : memref<!tpu.dma_semaphore, #tpu.memory_space<semaphore_mem>>)
      %dma_start3A_36 = arith.constant 1 : i32
      %dma_start3A_37 = arith.constant 128 : i32
      %dma_start3A_38 = arith.constant 0 : i32
      %dma_start3A_39 = tpu.memref_slice %arg6[%dma_start3A_37, %dma_start3A_38] : memref<2048x32xf32, #tpu.memory_space<vmem>> -> memref<128x32xf32, #tpu.memory_space<vmem>>
      %dma_start3A_40 = arith.constant 0 : i32
      %dma_start3A_41 = tpu.memref_slice %arg5[%dma_start3A_36, %dma_start3A_40] : memref<16x128xi32, #tpu.memory_space<vmem>> -> memref<1x128xi32, #tpu.memory_space<vmem>>
      %dma_start3A_42 = tpu.memref_squeeze %dma_start3A_41 : memref<1x128xi32, #tpu.memory_space<vmem>> -> memref<128xi32, #tpu.memory_space<vmem>>
      %dma_start3A_43 = arith.constant 0 : i32
      %dma_start3A_44 = arith.constant 0 : i32
      %dma_start3A_45 = tpu.memref_slice %arg2[%dma_start3A_43, %dma_start3A_44] : memref<4096x32xf32, #tpu.memory_space<hbm>> -> memref<4096x32xf32, #tpu.memory_space<hbm>>
      tpu.enqueue_indirect_dma source(%dma_start3A_45 : memref<4096x32xf32, #tpu.memory_space<hbm>>) target(%dma_start3A_39 : memref<128x32xf32, #tpu.memory_space<vmem>>) offsets(%dma_start3A_42 : memref<128xi32, #tpu.memory_space<vmem>>) semaphore(%arg7 : memref<!tpu.dma_semaphore, #tpu.memory_space<semaphore_mem>>)
      %dma_start3A_46 = arith.constant 2 : i32
      %dma_start3A_47 = arith.constant 256 : i32
      %dma_start3A_48 = arith.constant 0 : i32
      %dma_start3A_49 = tpu.memref_slice %arg6[%dma_start3A_47, %dma_start3A_48] : memref<2048x32xf32, #tpu.memory_space<vmem>> -> memref<128x32xf32, #tpu.memory_space<vmem>>
      %dma_start3A_50 = arith.constant 0 : i32
      %dma_start3A_51 = tpu.memref_slice %arg5[%dma_start3A_46, %dma_start3A_50] : memref<16x128xi32, #tpu.memory_space<vmem>> -> memref<1x128xi32, #tpu.memory_space<vmem>>
      %dma_start3A_52 = tpu.memref_squeeze %dma_start3A_51 : memref<1x128xi32, #tpu.memory_space<vmem>> -> memref<128xi32, #tpu.memory_space<vmem>>
      %dma_start3A_53 = arith.constant 0 : i32
      %dma_start3A_54 = arith.constant 0 : i32
      %dma_start3A_55 = tpu.memref_slice %arg2[%dma_start3A_53, %dma_start3A_54] : memref<4096x32xf32, #tpu.memory_space<hbm>> -> memref<4096x32xf32, #tpu.memory_space<hbm>>
      tpu.enqueue_indirect_dma source(%dma_start3A_55 : memref<4096x32xf32, #tpu.memory_space<hbm>>) target(%dma_start3A_49 : memref<128x32xf32, #tpu.memory_space<vmem>>) offsets(%dma_start3A_52 : memref<128xi32, #tpu.memory_space<vmem>>) semaphore(%arg7 : memref<!tpu.dma_semaphore, #tpu.memory_space<semaphore_mem>>)
      %dma_start3A_56 = arith.constant 3 : i32
      %dma_start3A_57 = arith.constant 384 : i32
      %dma_start3A_58 = arith.constant 0 : i32
      %dma_start3A_59 = tpu.memref_slice %arg6[%dma_start3A_57, %dma_start3A_58] : memref<2048x32xf32, #tpu.memory_space<vmem>> -> memref<128x32xf32, #tpu.memory_space<vmem>>
      %dma_start3A_60 = arith.constant 0 : i32
      %dma_start3A_61 = tpu.memref_slice %arg5[%dma_start3A_56, %dma_start3A_60] : memref<16x128xi32, #tpu.memory_space<vmem>> -> memref<1x128xi32, #tpu.memory_space<vmem>>
      %dma_start3A_62 = tpu.memref_squeeze %dma_start3A_61 : memref<1x128xi32, #tpu.memory_space<vmem>> -> memref<128xi32, #tpu.memory_space<vmem>>
      %dma_start3A_63 = arith.constant 0 : i32
      %dma_start3A_64 = arith.constant 0 : i32
      %dma_start3A_65 = tpu.memref_slice %arg2[%dma_start3A_63, %dma_start3A_64] : memref<4096x32xf32, #tpu.memory_space<hbm>> -> memref<4096x32xf32, #tpu.memory_space<hbm>>
      tpu.enqueue_indirect_dma source(%dma_start3A_65 : memref<4096x32xf32, #tpu.memory_space<hbm>>) target(%dma_start3A_59 : memref<128x32xf32, #tpu.memory_space<vmem>>) offsets(%dma_start3A_62 : memref<128xi32, #tpu.memory_space<vmem>>) semaphore(%arg7 : memref<!tpu.dma_semaphore, #tpu.memory_space<semaphore_mem>>)
      %dma_start3A_66 = arith.constant 4 : i32
      %dma_start3A_67 = arith.constant 512 : i32
      %dma_start3A_68 = arith.constant 0 : i32
      %dma_start3A_69 = tpu.memref_slice %arg6[%dma_start3A_67, %dma_start3A_68] : memref<2048x32xf32, #tpu.memory_space<vmem>> -> memref<128x32xf32, #tpu.memory_space<vmem>>
      %dma_start3A_70 = arith.constant 0 : i32
      %dma_start3A_71 = tpu.memref_slice %arg5[%dma_start3A_66, %dma_start3A_70] : memref<16x128xi32, #tpu.memory_space<vmem>> -> memref<1x128xi32, #tpu.memory_space<vmem>>
      %dma_start3A_72 = tpu.memref_squeeze %dma_start3A_71 : memref<1x128xi32, #tpu.memory_space<vmem>> -> memref<128xi32, #tpu.memory_space<vmem>>
      %dma_start3A_73 = arith.constant 0 : i32
      %dma_start3A_74 = arith.constant 0 : i32
      %dma_start3A_75 = tpu.memref_slice %arg2[%dma_start3A_73, %dma_start3A_74] : memref<4096x32xf32, #tpu.memory_space<hbm>> -> memref<4096x32xf32, #tpu.memory_space<hbm>>
      tpu.enqueue_indirect_dma source(%dma_start3A_75 : memref<4096x32xf32, #tpu.memory_space<hbm>>) target(%dma_start3A_69 : memref<128x32xf32, #tpu.memory_space<vmem>>) offsets(%dma_start3A_72 : memref<128xi32, #tpu.memory_space<vmem>>) semaphore(%arg7 : memref<!tpu.dma_semaphore, #tpu.memory_space<semaphore_mem>>)
      %dma_start3A_76 = arith.constant 5 : i32
      %dma_start3A_77 = arith.constant 640 : i32
      %dma_start3A_78 = arith.constant 0 : i32
      %dma_start3A_79 = tpu.memref_slice %arg6[%dma_start3A_77, %dma_start3A_78] : memref<2048x32xf32, #tpu.memory_space<vmem>> -> memref<128x32xf32, #tpu.memory_space<vmem>>
      %dma_start3A_80 = arith.constant 0 : i32
      %dma_start3A_81 = tpu.memref_slice %arg5[%dma_start3A_76, %dma_start3A_80] : memref<16x128xi32, #tpu.memory_space<vmem>> -> memref<1x128xi32, #tpu.memory_space<vmem>>
      %dma_start3A_82 = tpu.memref_squeeze %dma_start3A_81 : memref<1x128xi32, #tpu.memory_space<vmem>> -> memref<128xi32, #tpu.memory_space<vmem>>
      %dma_start3A_83 = arith.constant 0 : i32
      %dma_start3A_84 = arith.constant 0 : i32
      %dma_start3A_85 = tpu.memref_slice %arg2[%dma_start3A_83, %dma_start3A_84] : memref<4096x32xf32, #tpu.memory_space<hbm>> -> memref<4096x32xf32, #tpu.memory_space<hbm>>
      tpu.enqueue_indirect_dma source(%dma_start3A_85 : memref<4096x32xf32, #tpu.memory_space<hbm>>) target(%dma_start3A_79 : memref<128x32xf32, #tpu.memory_space<vmem>>) offsets(%dma_start3A_82 : memref<128xi32, #tpu.memory_space<vmem>>) semaphore(%arg7 : memref<!tpu.dma_semaphore, #tpu.memory_space<semaphore_mem>>)
      %dma_start3A_86 = arith.constant 6 : i32
      %dma_start3A_87 = arith.constant 768 : i32
      %dma_start3A_88 = arith.constant 0 : i32
      %dma_start3A_89 = tpu.memref_slice %arg6[%dma_start3A_87, %dma_start3A_88] : memref<2048x32xf32, #tpu.memory_space<vmem>> -> memref<128x32xf32, #tpu.memory_space<vmem>>
      %dma_start3A_90 = arith.constant 0 : i32
      %dma_start3A_91 = tpu.memref_slice %arg5[%dma_start3A_86, %dma_start3A_90] : memref<16x128xi32, #tpu.memory_space<vmem>> -> memref<1x128xi32, #tpu.memory_space<vmem>>
      %dma_start3A_92 = tpu.memref_squeeze %dma_start3A_91 : memref<1x128xi32, #tpu.memory_space<vmem>> -> memref<128xi32, #tpu.memory_space<vmem>>
      %dma_start3A_93 = arith.constant 0 : i32
      %dma_start3A_94 = arith.constant 0 : i32
      %dma_start3A_95 = tpu.memref_slice %arg2[%dma_start3A_93, %dma_start3A_94] : memref<4096x32xf32, #tpu.memory_space<hbm>> -> memref<4096x32xf32, #tpu.memory_space<hbm>>
      tpu.enqueue_indirect_dma source(%dma_start3A_95 : memref<4096x32xf32, #tpu.memory_space<hbm>>) target(%dma_start3A_89 : memref<128x32xf32, #tpu.memory_space<vmem>>) offsets(%dma_start3A_92 : memref<128xi32, #tpu.memory_space<vmem>>) semaphore(%arg7 : memref<!tpu.dma_semaphore, #tpu.memory_space<semaphore_mem>>)
      %dma_start3A_96 = arith.constant 7 : i32
      %dma_start3A_97 = arith.constant 896 : i32
      %dma_start3A_98 = arith.constant 0 : i32
      %dma_start3A_99 = tpu.memref_slice %arg6[%dma_start3A_97, %dma_start3A_98] : memref<2048x32xf32, #tpu.memory_space<vmem>> -> memref<128x32xf32, #tpu.memory_space<vmem>>
      %dma_start3A_100 = arith.constant 0 : i32
      %dma_start3A_101 = tpu.memref_slice %arg5[%dma_start3A_96, %dma_start3A_100] : memref<16x128xi32, #tpu.memory_space<vmem>> -> memref<1x128xi32, #tpu.memory_space<vmem>>
      %dma_start3A_102 = tpu.memref_squeeze %dma_start3A_101 : memref<1x128xi32, #tpu.memory_space<vmem>> -> memref<128xi32, #tpu.memory_space<vmem>>
      %dma_start3A_103 = arith.constant 0 : i32
      %dma_start3A_104 = arith.constant 0 : i32
      %dma_start3A_105 = tpu.memref_slice %arg2[%dma_start3A_103, %dma_start3A_104] : memref<4096x32xf32, #tpu.memory_space<hbm>> -> memref<4096x32xf32, #tpu.memory_space<hbm>>
      tpu.enqueue_indirect_dma source(%dma_start3A_105 : memref<4096x32xf32, #tpu.memory_space<hbm>>) target(%dma_start3A_99 : memref<128x32xf32, #tpu.memory_space<vmem>>) offsets(%dma_start3A_102 : memref<128xi32, #tpu.memory_space<vmem>>) semaphore(%arg7 : memref<!tpu.dma_semaphore, #tpu.memory_space<semaphore_mem>>)
      %dma_start3A_106 = arith.constant 8 : i32
      %dma_start3A_107 = arith.constant 1024 : i32
      %dma_start3A_108 = arith.constant 0 : i32
      %dma_start3A_109 = tpu.memref_slice %arg6[%dma_start3A_107, %dma_start3A_108] : memref<2048x32xf32, #tpu.memory_space<vmem>> -> memref<128x32xf32, #tpu.memory_space<vmem>>
      %dma_start3A_110 = arith.constant 0 : i32
      %dma_start3A_111 = tpu.memref_slice %arg5[%dma_start3A_106, %dma_start3A_110] : memref<16x128xi32, #tpu.memory_space<vmem>> -> memref<1x128xi32, #tpu.memory_space<vmem>>
      %dma_start3A_112 = tpu.memref_squeeze %dma_start3A_111 : memref<1x128xi32, #tpu.memory_space<vmem>> -> memref<128xi32, #tpu.memory_space<vmem>>
      %dma_start3A_113 = arith.constant 0 : i32
      %dma_start3A_114 = arith.constant 0 : i32
      %dma_start3A_115 = tpu.memref_slice %arg2[%dma_start3A_113, %dma_start3A_114] : memref<4096x32xf32, #tpu.memory_space<hbm>> -> memref<4096x32xf32, #tpu.memory_space<hbm>>
      tpu.enqueue_indirect_dma source(%dma_start3A_115 : memref<4096x32xf32, #tpu.memory_space<hbm>>) target(%dma_start3A_109 : memref<128x32xf32, #tpu.memory_space<vmem>>) offsets(%dma_start3A_112 : memref<128xi32, #tpu.memory_space<vmem>>) semaphore(%arg7 : memref<!tpu.dma_semaphore, #tpu.memory_space<semaphore_mem>>)
      %dma_start3A_116 = arith.constant 9 : i32
      %dma_start3A_117 = arith.constant 1152 : i32
      %dma_start3A_118 = arith.constant 0 : i32
      %dma_start3A_119 = tpu.memref_slice %arg6[%dma_start3A_117, %dma_start3A_118] : memref<2048x32xf32, #tpu.memory_space<vmem>> -> memref<128x32xf32, #tpu.memory_space<vmem>>
      %dma_start3A_120 = arith.constant 0 : i32
      %dma_start3A_121 = tpu.memref_slice %arg5[%dma_start3A_116, %dma_start3A_120] : memref<16x128xi32, #tpu.memory_space<vmem>> -> memref<1x128xi32, #tpu.memory_space<vmem>>
      %dma_start3A_122 = tpu.memref_squeeze %dma_start3A_121 : memref<1x128xi32, #tpu.memory_space<vmem>> -> memref<128xi32, #tpu.memory_space<vmem>>
      %dma_start3A_123 = arith.constant 0 : i32
      %dma_start3A_124 = arith.constant 0 : i32
      %dma_start3A_125 = tpu.memref_slice %arg2[%dma_start3A_123, %dma_start3A_124] : memref<4096x32xf32, #tpu.memory_space<hbm>> -> memref<4096x32xf32, #tpu.memory_space<hbm>>
      tpu.enqueue_indirect_dma source(%dma_start3A_125 : memref<4096x32xf32, #tpu.memory_space<hbm>>) target(%dma_start3A_119 : memref<128x32xf32, #tpu.memory_space<vmem>>) offsets(%dma_start3A_122 : memref<128xi32, #tpu.memory_space<vmem>>) semaphore(%arg7 : memref<!tpu.dma_semaphore, #tpu.memory_space<semaphore_mem>>)
      %dma_start3A_126 = arith.constant 10 : i32
      %dma_start3A_127 = arith.constant 1280 : i32
      %dma_start3A_128 = arith.constant 0 : i32
      %dma_start3A_129 = tpu.memref_slice %arg6[%dma_start3A_127, %dma_start3A_128] : memref<2048x32xf32, #tpu.memory_space<vmem>> -> memref<128x32xf32, #tpu.memory_space<vmem>>
      %dma_start3A_130 = arith.constant 0 : i32
      %dma_start3A_131 = tpu.memref_slice %arg5[%dma_start3A_126, %dma_start3A_130] : memref<16x128xi32, #tpu.memory_space<vmem>> -> memref<1x128xi32, #tpu.memory_space<vmem>>
      %dma_start3A_132 = tpu.memref_squeeze %dma_start3A_131 : memref<1x128xi32, #tpu.memory_space<vmem>> -> memref<128xi32, #tpu.memory_space<vmem>>
      %dma_start3A_133 = arith.constant 0 : i32
      %dma_start3A_134 = arith.constant 0 : i32
      %dma_start3A_135 = tpu.memref_slice %arg2[%dma_start3A_133, %dma_start3A_134] : memref<4096x32xf32, #tpu.memory_space<hbm>> -> memref<4096x32xf32, #tpu.memory_space<hbm>>
      tpu.enqueue_indirect_dma source(%dma_start3A_135 : memref<4096x32xf32, #tpu.memory_space<hbm>>) target(%dma_start3A_129 : memref<128x32xf32, #tpu.memory_space<vmem>>) offsets(%dma_start3A_132 : memref<128xi32, #tpu.memory_space<vmem>>) semaphore(%arg7 : memref<!tpu.dma_semaphore, #tpu.memory_space<semaphore_mem>>)
      %dma_start3A_136 = arith.constant 11 : i32
      %dma_start3A_137 = arith.constant 1408 : i32
      %dma_start3A_138 = arith.constant 0 : i32
      %dma_start3A_139 = tpu.memref_slice %arg6[%dma_start3A_137, %dma_start3A_138] : memref<2048x32xf32, #tpu.memory_space<vmem>> -> memref<128x32xf32, #tpu.memory_space<vmem>>
      %dma_start3A_140 = arith.constant 0 : i32
      %dma_start3A_141 = tpu.memref_slice %arg5[%dma_start3A_136, %dma_start3A_140] : memref<16x128xi32, #tpu.memory_space<vmem>> -> memref<1x128xi32, #tpu.memory_space<vmem>>
      %dma_start3A_142 = tpu.memref_squeeze %dma_start3A_141 : memref<1x128xi32, #tpu.memory_space<vmem>> -> memref<128xi32, #tpu.memory_space<vmem>>
      %dma_start3A_143 = arith.constant 0 : i32
      %dma_start3A_144 = arith.constant 0 : i32
      %dma_start3A_145 = tpu.memref_slice %arg2[%dma_start3A_143, %dma_start3A_144] : memref<4096x32xf32, #tpu.memory_space<hbm>> -> memref<4096x32xf32, #tpu.memory_space<hbm>>
      tpu.enqueue_indirect_dma source(%dma_start3A_145 : memref<4096x32xf32, #tpu.memory_space<hbm>>) target(%dma_start3A_139 : memref<128x32xf32, #tpu.memory_space<vmem>>) offsets(%dma_start3A_142 : memref<128xi32, #tpu.memory_space<vmem>>) semaphore(%arg7 : memref<!tpu.dma_semaphore, #tpu.memory_space<semaphore_mem>>)
      %dma_start3A_146 = arith.constant 12 : i32
      %dma_start3A_147 = arith.constant 1536 : i32
      %dma_start3A_148 = arith.constant 0 : i32
      %dma_start3A_149 = tpu.memref_slice %arg6[%dma_start3A_147, %dma_start3A_148] : memref<2048x32xf32, #tpu.memory_space<vmem>> -> memref<128x32xf32, #tpu.memory_space<vmem>>
      %dma_start3A_150 = arith.constant 0 : i32
      %dma_start3A_151 = tpu.memref_slice %arg5[%dma_start3A_146, %dma_start3A_150] : memref<16x128xi32, #tpu.memory_space<vmem>> -> memref<1x128xi32, #tpu.memory_space<vmem>>
      %dma_start3A_152 = tpu.memref_squeeze %dma_start3A_151 : memref<1x128xi32, #tpu.memory_space<vmem>> -> memref<128xi32, #tpu.memory_space<vmem>>
      %dma_start3A_153 = arith.constant 0 : i32
      %dma_start3A_154 = arith.constant 0 : i32
      %dma_start3A_155 = tpu.memref_slice %arg2[%dma_start3A_153, %dma_start3A_154] : memref<4096x32xf32, #tpu.memory_space<hbm>> -> memref<4096x32xf32, #tpu.memory_space<hbm>>
      tpu.enqueue_indirect_dma source(%dma_start3A_155 : memref<4096x32xf32, #tpu.memory_space<hbm>>) target(%dma_start3A_149 : memref<128x32xf32, #tpu.memory_space<vmem>>) offsets(%dma_start3A_152 : memref<128xi32, #tpu.memory_space<vmem>>) semaphore(%arg7 : memref<!tpu.dma_semaphore, #tpu.memory_space<semaphore_mem>>)
      %dma_start3A_156 = arith.constant 13 : i32
      %dma_start3A_157 = arith.constant 1664 : i32
      %dma_start3A_158 = arith.constant 0 : i32
      %dma_start3A_159 = tpu.memref_slice %arg6[%dma_start3A_157, %dma_start3A_158] : memref<2048x32xf32, #tpu.memory_space<vmem>> -> memref<128x32xf32, #tpu.memory_space<vmem>>
      %dma_start3A_160 = arith.constant 0 : i32
      %dma_start3A_161 = tpu.memref_slice %arg5[%dma_start3A_156, %dma_start3A_160] : memref<16x128xi32, #tpu.memory_space<vmem>> -> memref<1x128xi32, #tpu.memory_space<vmem>>
      %dma_start3A_162 = tpu.memref_squeeze %dma_start3A_161 : memref<1x128xi32, #tpu.memory_space<vmem>> -> memref<128xi32, #tpu.memory_space<vmem>>
      %dma_start3A_163 = arith.constant 0 : i32
      %dma_start3A_164 = arith.constant 0 : i32
      %dma_start3A_165 = tpu.memref_slice %arg2[%dma_start3A_163, %dma_start3A_164] : memref<4096x32xf32, #tpu.memory_space<hbm>> -> memref<4096x32xf32, #tpu.memory_space<hbm>>
      tpu.enqueue_indirect_dma source(%dma_start3A_165 : memref<4096x32xf32, #tpu.memory_space<hbm>>) target(%dma_start3A_159 : memref<128x32xf32, #tpu.memory_space<vmem>>) offsets(%dma_start3A_162 : memref<128xi32, #tpu.memory_space<vmem>>) semaphore(%arg7 : memref<!tpu.dma_semaphore, #tpu.memory_space<semaphore_mem>>)
      %dma_start3A_166 = arith.constant 14 : i32
      %dma_start3A_167 = arith.constant 1792 : i32
      %dma_start3A_168 = arith.constant 0 : i32
      %dma_start3A_169 = tpu.memref_slice %arg6[%dma_start3A_167, %dma_start3A_168] : memref<2048x32xf32, #tpu.memory_space<vmem>> -> memref<128x32xf32, #tpu.memory_space<vmem>>
      %dma_start3A_170 = arith.constant 0 : i32
      %dma_start3A_171 = tpu.memref_slice %arg5[%dma_start3A_166, %dma_start3A_170] : memref<16x128xi32, #tpu.memory_space<vmem>> -> memref<1x128xi32, #tpu.memory_space<vmem>>
      %dma_start3A_172 = tpu.memref_squeeze %dma_start3A_171 : memref<1x128xi32, #tpu.memory_space<vmem>> -> memref<128xi32, #tpu.memory_space<vmem>>
      %dma_start3A_173 = arith.constant 0 : i32
      %dma_start3A_174 = arith.constant 0 : i32
      %dma_start3A_175 = tpu.memref_slice %arg2[%dma_start3A_173, %dma_start3A_174] : memref<4096x32xf32, #tpu.memory_space<hbm>> -> memref<4096x32xf32, #tpu.memory_space<hbm>>
      tpu.enqueue_indirect_dma source(%dma_start3A_175 : memref<4096x32xf32, #tpu.memory_space<hbm>>) target(%dma_start3A_169 : memref<128x32xf32, #tpu.memory_space<vmem>>) offsets(%dma_start3A_172 : memref<128xi32, #tpu.memory_space<vmem>>) semaphore(%arg7 : memref<!tpu.dma_semaphore, #tpu.memory_space<semaphore_mem>>)
      %dma_start3A_176 = arith.constant 15 : i32
      %dma_start3A_177 = arith.constant 1920 : i32
      %dma_start3A_178 = arith.constant 0 : i32
      %dma_start3A_179 = tpu.memref_slice %arg6[%dma_start3A_177, %dma_start3A_178] : memref<2048x32xf32, #tpu.memory_space<vmem>> -> memref<128x32xf32, #tpu.memory_space<vmem>>
      %dma_start3A_180 = arith.constant 0 : i32
      %dma_start3A_181 = tpu.memref_slice %arg5[%dma_start3A_176, %dma_start3A_180] : memref<16x128xi32, #tpu.memory_space<vmem>> -> memref<1x128xi32, #tpu.memory_space<vmem>>
      %dma_start3A_182 = tpu.memref_squeeze %dma_start3A_181 : memref<1x128xi32, #tpu.memory_space<vmem>> -> memref<128xi32, #tpu.memory_space<vmem>>
      %dma_start3A_183 = arith.constant 0 : i32
      %dma_start3A_184 = arith.constant 0 : i32
      %dma_start3A_185 = tpu.memref_slice %arg2[%dma_start3A_183, %dma_start3A_184] : memref<4096x32xf32, #tpu.memory_space<hbm>> -> memref<4096x32xf32, #tpu.memory_space<hbm>>
      tpu.enqueue_indirect_dma source(%dma_start3A_185 : memref<4096x32xf32, #tpu.memory_space<hbm>>) target(%dma_start3A_179 : memref<128x32xf32, #tpu.memory_space<vmem>>) offsets(%dma_start3A_182 : memref<128xi32, #tpu.memory_space<vmem>>) semaphore(%arg7 : memref<!tpu.dma_semaphore, #tpu.memory_space<semaphore_mem>>)
      %dma_wait3A = arith.constant 0 : i32
      %dma_wait3A_186 = arith.constant 0 : i32
      %dma_wait3A_187 = arith.constant 0 : i32
      %dma_wait3A_188 = tpu.memref_slice %arg6[%dma_wait3A_186, %dma_wait3A_187] : memref<2048x32xf32, #tpu.memory_space<vmem>> -> memref<128x32xf32, #tpu.memory_space<vmem>>
      %dma_wait3A_189 = arith.constant 0 : i32
      %dma_wait3A_190 = tpu.memref_slice %arg5[%dma_wait3A, %dma_wait3A_189] : memref<16x128xi32, #tpu.memory_space<vmem>> -> memref<1x128xi32, #tpu.memory_space<vmem>>
      %dma_wait3A_191 = tpu.memref_squeeze %dma_wait3A_190 : memref<1x128xi32, #tpu.memory_space<vmem>> -> memref<128xi32, #tpu.memory_space<vmem>>
      %dma_wait3A_192 = arith.constant 0 : i32
      %dma_wait3A_193 = arith.constant 0 : i32
      %dma_wait3A_194 = tpu.memref_slice %arg2[%dma_wait3A_192, %dma_wait3A_193] : memref<4096x32xf32, #tpu.memory_space<hbm>> -> memref<4096x32xf32, #tpu.memory_space<hbm>>
      tpu.wait_indirect_dma semaphore(%arg7 : memref<!tpu.dma_semaphore, #tpu.memory_space<semaphore_mem>>) src(%dma_wait3A_194 : memref<4096x32xf32, #tpu.memory_space<hbm>>) dst(%dma_wait3A_188 : memref<128x32xf32, #tpu.memory_space<vmem>>)
      %dma_wait3A_195 = arith.constant 1 : i32
      %dma_wait3A_196 = arith.constant 128 : i32
      %dma_wait3A_197 = arith.constant 0 : i32
      %dma_wait3A_198 = tpu.memref_slice %arg6[%dma_wait3A_196, %dma_wait3A_197] : memref<2048x32xf32, #tpu.memory_space<vmem>> -> memref<128x32xf32, #tpu.memory_space<vmem>>
      %dma_wait3A_199 = arith.constant 0 : i32
      %dma_wait3A_200 = tpu.memref_slice %arg5[%dma_wait3A_195, %dma_wait3A_199] : memref<16x128xi32, #tpu.memory_space<vmem>> -> memref<1x128xi32, #tpu.memory_space<vmem>>
      %dma_wait3A_201 = tpu.memref_squeeze %dma_wait3A_200 : memref<1x128xi32, #tpu.memory_space<vmem>> -> memref<128xi32, #tpu.memory_space<vmem>>
      %dma_wait3A_202 = arith.constant 0 : i32
      %dma_wait3A_203 = arith.constant 0 : i32
      %dma_wait3A_204 = tpu.memref_slice %arg2[%dma_wait3A_202, %dma_wait3A_203] : memref<4096x32xf32, #tpu.memory_space<hbm>> -> memref<4096x32xf32, #tpu.memory_space<hbm>>
      tpu.wait_indirect_dma semaphore(%arg7 : memref<!tpu.dma_semaphore, #tpu.memory_space<semaphore_mem>>) src(%dma_wait3A_204 : memref<4096x32xf32, #tpu.memory_space<hbm>>) dst(%dma_wait3A_198 : memref<128x32xf32, #tpu.memory_space<vmem>>)
      %dma_wait3A_205 = arith.constant 2 : i32
      %dma_wait3A_206 = arith.constant 256 : i32
      %dma_wait3A_207 = arith.constant 0 : i32
      %dma_wait3A_208 = tpu.memref_slice %arg6[%dma_wait3A_206, %dma_wait3A_207] : memref<2048x32xf32, #tpu.memory_space<vmem>> -> memref<128x32xf32, #tpu.memory_space<vmem>>
      %dma_wait3A_209 = arith.constant 0 : i32
      %dma_wait3A_210 = tpu.memref_slice %arg5[%dma_wait3A_205, %dma_wait3A_209] : memref<16x128xi32, #tpu.memory_space<vmem>> -> memref<1x128xi32, #tpu.memory_space<vmem>>
      %dma_wait3A_211 = tpu.memref_squeeze %dma_wait3A_210 : memref<1x128xi32, #tpu.memory_space<vmem>> -> memref<128xi32, #tpu.memory_space<vmem>>
      %dma_wait3A_212 = arith.constant 0 : i32
      %dma_wait3A_213 = arith.constant 0 : i32
      %dma_wait3A_214 = tpu.memref_slice %arg2[%dma_wait3A_212, %dma_wait3A_213] : memref<4096x32xf32, #tpu.memory_space<hbm>> -> memref<4096x32xf32, #tpu.memory_space<hbm>>
      tpu.wait_indirect_dma semaphore(%arg7 : memref<!tpu.dma_semaphore, #tpu.memory_space<semaphore_mem>>) src(%dma_wait3A_214 : memref<4096x32xf32, #tpu.memory_space<hbm>>) dst(%dma_wait3A_208 : memref<128x32xf32, #tpu.memory_space<vmem>>)
      %dma_wait3A_215 = arith.constant 3 : i32
      %dma_wait3A_216 = arith.constant 384 : i32
      %dma_wait3A_217 = arith.constant 0 : i32
      %dma_wait3A_218 = tpu.memref_slice %arg6[%dma_wait3A_216, %dma_wait3A_217] : memref<2048x32xf32, #tpu.memory_space<vmem>> -> memref<128x32xf32, #tpu.memory_space<vmem>>
      %dma_wait3A_219 = arith.constant 0 : i32
      %dma_wait3A_220 = tpu.memref_slice %arg5[%dma_wait3A_215, %dma_wait3A_219] : memref<16x128xi32, #tpu.memory_space<vmem>> -> memref<1x128xi32, #tpu.memory_space<vmem>>
      %dma_wait3A_221 = tpu.memref_squeeze %dma_wait3A_220 : memref<1x128xi32, #tpu.memory_space<vmem>> -> memref<128xi32, #tpu.memory_space<vmem>>
      %dma_wait3A_222 = arith.constant 0 : i32
      %dma_wait3A_223 = arith.constant 0 : i32
      %dma_wait3A_224 = tpu.memref_slice %arg2[%dma_wait3A_222, %dma_wait3A_223] : memref<4096x32xf32, #tpu.memory_space<hbm>> -> memref<4096x32xf32, #tpu.memory_space<hbm>>
      tpu.wait_indirect_dma semaphore(%arg7 : memref<!tpu.dma_semaphore, #tpu.memory_space<semaphore_mem>>) src(%dma_wait3A_224 : memref<4096x32xf32, #tpu.memory_space<hbm>>) dst(%dma_wait3A_218 : memref<128x32xf32, #tpu.memory_space<vmem>>)
      %dma_wait3A_225 = arith.constant 4 : i32
      %dma_wait3A_226 = arith.constant 512 : i32
      %dma_wait3A_227 = arith.constant 0 : i32
      %dma_wait3A_228 = tpu.memref_slice %arg6[%dma_wait3A_226, %dma_wait3A_227] : memref<2048x32xf32, #tpu.memory_space<vmem>> -> memref<128x32xf32, #tpu.memory_space<vmem>>
      %dma_wait3A_229 = arith.constant 0 : i32
      %dma_wait3A_230 = tpu.memref_slice %arg5[%dma_wait3A_225, %dma_wait3A_229] : memref<16x128xi32, #tpu.memory_space<vmem>> -> memref<1x128xi32, #tpu.memory_space<vmem>>
      %dma_wait3A_231 = tpu.memref_squeeze %dma_wait3A_230 : memref<1x128xi32, #tpu.memory_space<vmem>> -> memref<128xi32, #tpu.memory_space<vmem>>
      %dma_wait3A_232 = arith.constant 0 : i32
      %dma_wait3A_233 = arith.constant 0 : i32
      %dma_wait3A_234 = tpu.memref_slice %arg2[%dma_wait3A_232, %dma_wait3A_233] : memref<4096x32xf32, #tpu.memory_space<hbm>> -> memref<4096x32xf32, #tpu.memory_space<hbm>>
      tpu.wait_indirect_dma semaphore(%arg7 : memref<!tpu.dma_semaphore, #tpu.memory_space<semaphore_mem>>) src(%dma_wait3A_234 : memref<4096x32xf32, #tpu.memory_space<hbm>>) dst(%dma_wait3A_228 : memref<128x32xf32, #tpu.memory_space<vmem>>)
      %dma_wait3A_235 = arith.constant 5 : i32
      %dma_wait3A_236 = arith.constant 640 : i32
      %dma_wait3A_237 = arith.constant 0 : i32
      %dma_wait3A_238 = tpu.memref_slice %arg6[%dma_wait3A_236, %dma_wait3A_237] : memref<2048x32xf32, #tpu.memory_space<vmem>> -> memref<128x32xf32, #tpu.memory_space<vmem>>
      %dma_wait3A_239 = arith.constant 0 : i32
      %dma_wait3A_240 = tpu.memref_slice %arg5[%dma_wait3A_235, %dma_wait3A_239] : memref<16x128xi32, #tpu.memory_space<vmem>> -> memref<1x128xi32, #tpu.memory_space<vmem>>
      %dma_wait3A_241 = tpu.memref_squeeze %dma_wait3A_240 : memref<1x128xi32, #tpu.memory_space<vmem>> -> memref<128xi32, #tpu.memory_space<vmem>>
      %dma_wait3A_242 = arith.constant 0 : i32
      %dma_wait3A_243 = arith.constant 0 : i32
      %dma_wait3A_244 = tpu.memref_slice %arg2[%dma_wait3A_242, %dma_wait3A_243] : memref<4096x32xf32, #tpu.memory_space<hbm>> -> memref<4096x32xf32, #tpu.memory_space<hbm>>
      tpu.wait_indirect_dma semaphore(%arg7 : memref<!tpu.dma_semaphore, #tpu.memory_space<semaphore_mem>>) src(%dma_wait3A_244 : memref<4096x32xf32, #tpu.memory_space<hbm>>) dst(%dma_wait3A_238 : memref<128x32xf32, #tpu.memory_space<vmem>>)
      %dma_wait3A_245 = arith.constant 6 : i32
      %dma_wait3A_246 = arith.constant 768 : i32
      %dma_wait3A_247 = arith.constant 0 : i32
      %dma_wait3A_248 = tpu.memref_slice %arg6[%dma_wait3A_246, %dma_wait3A_247] : memref<2048x32xf32, #tpu.memory_space<vmem>> -> memref<128x32xf32, #tpu.memory_space<vmem>>
      %dma_wait3A_249 = arith.constant 0 : i32
      %dma_wait3A_250 = tpu.memref_slice %arg5[%dma_wait3A_245, %dma_wait3A_249] : memref<16x128xi32, #tpu.memory_space<vmem>> -> memref<1x128xi32, #tpu.memory_space<vmem>>
      %dma_wait3A_251 = tpu.memref_squeeze %dma_wait3A_250 : memref<1x128xi32, #tpu.memory_space<vmem>> -> memref<128xi32, #tpu.memory_space<vmem>>
      %dma_wait3A_252 = arith.constant 0 : i32
      %dma_wait3A_253 = arith.constant 0 : i32
      %dma_wait3A_254 = tpu.memref_slice %arg2[%dma_wait3A_252, %dma_wait3A_253] : memref<4096x32xf32, #tpu.memory_space<hbm>> -> memref<4096x32xf32, #tpu.memory_space<hbm>>
      tpu.wait_indirect_dma semaphore(%arg7 : memref<!tpu.dma_semaphore, #tpu.memory_space<semaphore_mem>>) src(%dma_wait3A_254 : memref<4096x32xf32, #tpu.memory_space<hbm>>) dst(%dma_wait3A_248 : memref<128x32xf32, #tpu.memory_space<vmem>>)
      %dma_wait3A_255 = arith.constant 7 : i32
      %dma_wait3A_256 = arith.constant 896 : i32
      %dma_wait3A_257 = arith.constant 0 : i32
      %dma_wait3A_258 = tpu.memref_slice %arg6[%dma_wait3A_256, %dma_wait3A_257] : memref<2048x32xf32, #tpu.memory_space<vmem>> -> memref<128x32xf32, #tpu.memory_space<vmem>>
      %dma_wait3A_259 = arith.constant 0 : i32
      %dma_wait3A_260 = tpu.memref_slice %arg5[%dma_wait3A_255, %dma_wait3A_259] : memref<16x128xi32, #tpu.memory_space<vmem>> -> memref<1x128xi32, #tpu.memory_space<vmem>>
      %dma_wait3A_261 = tpu.memref_squeeze %dma_wait3A_260 : memref<1x128xi32, #tpu.memory_space<vmem>> -> memref<128xi32, #tpu.memory_space<vmem>>
      %dma_wait3A_262 = arith.constant 0 : i32
      %dma_wait3A_263 = arith.constant 0 : i32
      %dma_wait3A_264 = tpu.memref_slice %arg2[%dma_wait3A_262, %dma_wait3A_263] : memref<4096x32xf32, #tpu.memory_space<hbm>> -> memref<4096x32xf32, #tpu.memory_space<hbm>>
      tpu.wait_indirect_dma semaphore(%arg7 : memref<!tpu.dma_semaphore, #tpu.memory_space<semaphore_mem>>) src(%dma_wait3A_264 : memref<4096x32xf32, #tpu.memory_space<hbm>>) dst(%dma_wait3A_258 : memref<128x32xf32, #tpu.memory_space<vmem>>)
      %dma_wait3A_265 = arith.constant 8 : i32
      %dma_wait3A_266 = arith.constant 1024 : i32
      %dma_wait3A_267 = arith.constant 0 : i32
      %dma_wait3A_268 = tpu.memref_slice %arg6[%dma_wait3A_266, %dma_wait3A_267] : memref<2048x32xf32, #tpu.memory_space<vmem>> -> memref<128x32xf32, #tpu.memory_space<vmem>>
      %dma_wait3A_269 = arith.constant 0 : i32
      %dma_wait3A_270 = tpu.memref_slice %arg5[%dma_wait3A_265, %dma_wait3A_269] : memref<16x128xi32, #tpu.memory_space<vmem>> -> memref<1x128xi32, #tpu.memory_space<vmem>>
      %dma_wait3A_271 = tpu.memref_squeeze %dma_wait3A_270 : memref<1x128xi32, #tpu.memory_space<vmem>> -> memref<128xi32, #tpu.memory_space<vmem>>
      %dma_wait3A_272 = arith.constant 0 : i32
      %dma_wait3A_273 = arith.constant 0 : i32
      %dma_wait3A_274 = tpu.memref_slice %arg2[%dma_wait3A_272, %dma_wait3A_273] : memref<4096x32xf32, #tpu.memory_space<hbm>> -> memref<4096x32xf32, #tpu.memory_space<hbm>>
      tpu.wait_indirect_dma semaphore(%arg7 : memref<!tpu.dma_semaphore, #tpu.memory_space<semaphore_mem>>) src(%dma_wait3A_274 : memref<4096x32xf32, #tpu.memory_space<hbm>>) dst(%dma_wait3A_268 : memref<128x32xf32, #tpu.memory_space<vmem>>)
      %dma_wait3A_275 = arith.constant 9 : i32
      %dma_wait3A_276 = arith.constant 1152 : i32
      %dma_wait3A_277 = arith.constant 0 : i32
      %dma_wait3A_278 = tpu.memref_slice %arg6[%dma_wait3A_276, %dma_wait3A_277] : memref<2048x32xf32, #tpu.memory_space<vmem>> -> memref<128x32xf32, #tpu.memory_space<vmem>>
      %dma_wait3A_279 = arith.constant 0 : i32
      %dma_wait3A_280 = tpu.memref_slice %arg5[%dma_wait3A_275, %dma_wait3A_279] : memref<16x128xi32, #tpu.memory_space<vmem>> -> memref<1x128xi32, #tpu.memory_space<vmem>>
      %dma_wait3A_281 = tpu.memref_squeeze %dma_wait3A_280 : memref<1x128xi32, #tpu.memory_space<vmem>> -> memref<128xi32, #tpu.memory_space<vmem>>
      %dma_wait3A_282 = arith.constant 0 : i32
      %dma_wait3A_283 = arith.constant 0 : i32
      %dma_wait3A_284 = tpu.memref_slice %arg2[%dma_wait3A_282, %dma_wait3A_283] : memref<4096x32xf32, #tpu.memory_space<hbm>> -> memref<4096x32xf32, #tpu.memory_space<hbm>>
      tpu.wait_indirect_dma semaphore(%arg7 : memref<!tpu.dma_semaphore, #tpu.memory_space<semaphore_mem>>) src(%dma_wait3A_284 : memref<4096x32xf32, #tpu.memory_space<hbm>>) dst(%dma_wait3A_278 : memref<128x32xf32, #tpu.memory_space<vmem>>)
      %dma_wait3A_285 = arith.constant 10 : i32
      %dma_wait3A_286 = arith.constant 1280 : i32
      %dma_wait3A_287 = arith.constant 0 : i32
      %dma_wait3A_288 = tpu.memref_slice %arg6[%dma_wait3A_286, %dma_wait3A_287] : memref<2048x32xf32, #tpu.memory_space<vmem>> -> memref<128x32xf32, #tpu.memory_space<vmem>>
      %dma_wait3A_289 = arith.constant 0 : i32
      %dma_wait3A_290 = tpu.memref_slice %arg5[%dma_wait3A_285, %dma_wait3A_289] : memref<16x128xi32, #tpu.memory_space<vmem>> -> memref<1x128xi32, #tpu.memory_space<vmem>>
      %dma_wait3A_291 = tpu.memref_squeeze %dma_wait3A_290 : memref<1x128xi32, #tpu.memory_space<vmem>> -> memref<128xi32, #tpu.memory_space<vmem>>
      %dma_wait3A_292 = arith.constant 0 : i32
      %dma_wait3A_293 = arith.constant 0 : i32
      %dma_wait3A_294 = tpu.memref_slice %arg2[%dma_wait3A_292, %dma_wait3A_293] : memref<4096x32xf32, #tpu.memory_space<hbm>> -> memref<4096x32xf32, #tpu.memory_space<hbm>>
      tpu.wait_indirect_dma semaphore(%arg7 : memref<!tpu.dma_semaphore, #tpu.memory_space<semaphore_mem>>) src(%dma_wait3A_294 : memref<4096x32xf32, #tpu.memory_space<hbm>>) dst(%dma_wait3A_288 : memref<128x32xf32, #tpu.memory_space<vmem>>)
      %dma_wait3A_295 = arith.constant 11 : i32
      %dma_wait3A_296 = arith.constant 1408 : i32
      %dma_wait3A_297 = arith.constant 0 : i32
      %dma_wait3A_298 = tpu.memref_slice %arg6[%dma_wait3A_296, %dma_wait3A_297] : memref<2048x32xf32, #tpu.memory_space<vmem>> -> memref<128x32xf32, #tpu.memory_space<vmem>>
      %dma_wait3A_299 = arith.constant 0 : i32
      %dma_wait3A_300 = tpu.memref_slice %arg5[%dma_wait3A_295, %dma_wait3A_299] : memref<16x128xi32, #tpu.memory_space<vmem>> -> memref<1x128xi32, #tpu.memory_space<vmem>>
      %dma_wait3A_301 = tpu.memref_squeeze %dma_wait3A_300 : memref<1x128xi32, #tpu.memory_space<vmem>> -> memref<128xi32, #tpu.memory_space<vmem>>
      %dma_wait3A_302 = arith.constant 0 : i32
      %dma_wait3A_303 = arith.constant 0 : i32
      %dma_wait3A_304 = tpu.memref_slice %arg2[%dma_wait3A_302, %dma_wait3A_303] : memref<4096x32xf32, #tpu.memory_space<hbm>> -> memref<4096x32xf32, #tpu.memory_space<hbm>>
      tpu.wait_indirect_dma semaphore(%arg7 : memref<!tpu.dma_semaphore, #tpu.memory_space<semaphore_mem>>) src(%dma_wait3A_304 : memref<4096x32xf32, #tpu.memory_space<hbm>>) dst(%dma_wait3A_298 : memref<128x32xf32, #tpu.memory_space<vmem>>)
      %dma_wait3A_305 = arith.constant 12 : i32
      %dma_wait3A_306 = arith.constant 1536 : i32
      %dma_wait3A_307 = arith.constant 0 : i32
      %dma_wait3A_308 = tpu.memref_slice %arg6[%dma_wait3A_306, %dma_wait3A_307] : memref<2048x32xf32, #tpu.memory_space<vmem>> -> memref<128x32xf32, #tpu.memory_space<vmem>>
      %dma_wait3A_309 = arith.constant 0 : i32
      %dma_wait3A_310 = tpu.memref_slice %arg5[%dma_wait3A_305, %dma_wait3A_309] : memref<16x128xi32, #tpu.memory_space<vmem>> -> memref<1x128xi32, #tpu.memory_space<vmem>>
      %dma_wait3A_311 = tpu.memref_squeeze %dma_wait3A_310 : memref<1x128xi32, #tpu.memory_space<vmem>> -> memref<128xi32, #tpu.memory_space<vmem>>
      %dma_wait3A_312 = arith.constant 0 : i32
      %dma_wait3A_313 = arith.constant 0 : i32
      %dma_wait3A_314 = tpu.memref_slice %arg2[%dma_wait3A_312, %dma_wait3A_313] : memref<4096x32xf32, #tpu.memory_space<hbm>> -> memref<4096x32xf32, #tpu.memory_space<hbm>>
      tpu.wait_indirect_dma semaphore(%arg7 : memref<!tpu.dma_semaphore, #tpu.memory_space<semaphore_mem>>) src(%dma_wait3A_314 : memref<4096x32xf32, #tpu.memory_space<hbm>>) dst(%dma_wait3A_308 : memref<128x32xf32, #tpu.memory_space<vmem>>)
      %dma_wait3A_315 = arith.constant 13 : i32
      %dma_wait3A_316 = arith.constant 1664 : i32
      %dma_wait3A_317 = arith.constant 0 : i32
      %dma_wait3A_318 = tpu.memref_slice %arg6[%dma_wait3A_316, %dma_wait3A_317] : memref<2048x32xf32, #tpu.memory_space<vmem>> -> memref<128x32xf32, #tpu.memory_space<vmem>>
      %dma_wait3A_319 = arith.constant 0 : i32
      %dma_wait3A_320 = tpu.memref_slice %arg5[%dma_wait3A_315, %dma_wait3A_319] : memref<16x128xi32, #tpu.memory_space<vmem>> -> memref<1x128xi32, #tpu.memory_space<vmem>>
      %dma_wait3A_321 = tpu.memref_squeeze %dma_wait3A_320 : memref<1x128xi32, #tpu.memory_space<vmem>> -> memref<128xi32, #tpu.memory_space<vmem>>
      %dma_wait3A_322 = arith.constant 0 : i32
      %dma_wait3A_323 = arith.constant 0 : i32
      %dma_wait3A_324 = tpu.memref_slice %arg2[%dma_wait3A_322, %dma_wait3A_323] : memref<4096x32xf32, #tpu.memory_space<hbm>> -> memref<4096x32xf32, #tpu.memory_space<hbm>>
      tpu.wait_indirect_dma semaphore(%arg7 : memref<!tpu.dma_semaphore, #tpu.memory_space<semaphore_mem>>) src(%dma_wait3A_324 : memref<4096x32xf32, #tpu.memory_space<hbm>>) dst(%dma_wait3A_318 : memref<128x32xf32, #tpu.memory_space<vmem>>)
      %dma_wait3A_325 = arith.constant 14 : i32
      %dma_wait3A_326 = arith.constant 1792 : i32
      %dma_wait3A_327 = arith.constant 0 : i32
      %dma_wait3A_328 = tpu.memref_slice %arg6[%dma_wait3A_326, %dma_wait3A_327] : memref<2048x32xf32, #tpu.memory_space<vmem>> -> memref<128x32xf32, #tpu.memory_space<vmem>>
      %dma_wait3A_329 = arith.constant 0 : i32
      %dma_wait3A_330 = tpu.memref_slice %arg5[%dma_wait3A_325, %dma_wait3A_329] : memref<16x128xi32, #tpu.memory_space<vmem>> -> memref<1x128xi32, #tpu.memory_space<vmem>>
      %dma_wait3A_331 = tpu.memref_squeeze %dma_wait3A_330 : memref<1x128xi32, #tpu.memory_space<vmem>> -> memref<128xi32, #tpu.memory_space<vmem>>
      %dma_wait3A_332 = arith.constant 0 : i32
      %dma_wait3A_333 = arith.constant 0 : i32
      %dma_wait3A_334 = tpu.memref_slice %arg2[%dma_wait3A_332, %dma_wait3A_333] : memref<4096x32xf32, #tpu.memory_space<hbm>> -> memref<4096x32xf32, #tpu.memory_space<hbm>>
      tpu.wait_indirect_dma semaphore(%arg7 : memref<!tpu.dma_semaphore, #tpu.memory_space<semaphore_mem>>) src(%dma_wait3A_334 : memref<4096x32xf32, #tpu.memory_space<hbm>>) dst(%dma_wait3A_328 : memref<128x32xf32, #tpu.memory_space<vmem>>)
      %dma_wait3A_335 = arith.constant 15 : i32
      %dma_wait3A_336 = arith.constant 1920 : i32
      %dma_wait3A_337 = arith.constant 0 : i32
      %dma_wait3A_338 = tpu.memref_slice %arg6[%dma_wait3A_336, %dma_wait3A_337] : memref<2048x32xf32, #tpu.memory_space<vmem>> -> memref<128x32xf32, #tpu.memory_space<vmem>>
      %dma_wait3A_339 = arith.constant 0 : i32
      %dma_wait3A_340 = tpu.memref_slice %arg5[%dma_wait3A_335, %dma_wait3A_339] : memref<16x128xi32, #tpu.memory_space<vmem>> -> memref<1x128xi32, #tpu.memory_space<vmem>>
      %dma_wait3A_341 = tpu.memref_squeeze %dma_wait3A_340 : memref<1x128xi32, #tpu.memory_space<vmem>> -> memref<128xi32, #tpu.memory_space<vmem>>
      %dma_wait3A_342 = arith.constant 0 : i32
      %dma_wait3A_343 = arith.constant 0 : i32
      %dma_wait3A_344 = tpu.memref_slice %arg2[%dma_wait3A_342, %dma_wait3A_343] : memref<4096x32xf32, #tpu.memory_space<hbm>> -> memref<4096x32xf32, #tpu.memory_space<hbm>>
      tpu.wait_indirect_dma semaphore(%arg7 : memref<!tpu.dma_semaphore, #tpu.memory_space<semaphore_mem>>) src(%dma_wait3A_344 : memref<4096x32xf32, #tpu.memory_space<hbm>>) dst(%dma_wait3A_338 : memref<128x32xf32, #tpu.memory_space<vmem>>)
      "tpu.region"() ({
        %run_scoped3A = tpu.sem_alloc : memref<!tpu.dma_semaphore, #tpu.memory_space<semaphore_mem>>
        %dma_start3A_345 = arith.constant 0 : i32
        %dma_start3A_346 = tpu.memref_slice %arg4[%add3A_10, %dma_start3A_345] : memref<196608x32xf32, #tpu.memory_space<hbm>> -> memref<2048x32xf32, #tpu.memory_space<hbm>>
        %dma_start3A_347 = arith.constant 0 : i32
        %dma_start3A_348 = tpu.memref_slice %arg4[%add3A_10, %dma_start3A_347] : memref<196608x32xf32, #tpu.memory_space<hbm>> -> memref<2048x32xf32, #tpu.memory_space<hbm>>
        tpu.enqueue_dma source(%arg6 : memref<2048x32xf32, #tpu.memory_space<vmem>>) target(%dma_start3A_348 : memref<2048x32xf32, #tpu.memory_space<hbm>>) target_semaphore(%run_scoped3A : memref<!tpu.dma_semaphore, #tpu.memory_space<semaphore_mem>>)
        %dma_wait3A_349 = arith.constant 0 : i32
        %dma_wait3A_350 = tpu.memref_slice %arg4[%add3A_10, %dma_wait3A_349] : memref<196608x32xf32, #tpu.memory_space<hbm>> -> memref<2048x32xf32, #tpu.memory_space<hbm>>
        %dma_wait3A_351 = arith.constant 0 : i32
        %dma_wait3A_352 = tpu.memref_slice %arg4[%add3A_10, %dma_wait3A_351] : memref<196608x32xf32, #tpu.memory_space<hbm>> -> memref<2048x32xf32, #tpu.memory_space<hbm>>
        tpu.wait_dma2 semaphore(%run_scoped3A : memref<!tpu.dma_semaphore, #tpu.memory_space<semaphore_mem>>) src(%arg6 : memref<2048x32xf32, #tpu.memory_space<vmem>>) dst(%dma_wait3A_352 : memref<2048x32xf32, #tpu.memory_space<hbm>>)
        tpu.yield
      }) : () -> ()
    }
    %scan3A_4 = arith.constant 3 : i32
    return
  }
}

module attributes {stable_mosaic.version = 14 : i64} {
  func.func @_knn_body(%arg0: i32, %arg1: i32, %arg2: memref<1x3x2048xf32, #tpu.memory_space<vmem>>, %arg3: memref<1x3x1024xf32, #tpu.memory_space<vmem>>, %arg4: memref<1x3x2048xi32, #tpu.memory_space<vmem>>, %arg5: memref<1x3x2048xf32, #tpu.memory_space<vmem>>) attributes {dimension_semantics = [#tpu.dimension_semantics<arbitrary>, #tpu.dimension_semantics<arbitrary>], iteration_bounds = array<i64: 4, 8>, scalar_prefetch = 0 : i64, scratch_operands = 0 : i64, tpu.core_type = #tpu.core_type<tc>, window_params = [{transform_indices = @transform_0, window_bounds = array<i64: 1, 3, 2048>}, {transform_indices = @transform_1, window_bounds = array<i64: 1, 3, 1024>}, {transform_indices = @transform_2, window_bounds = array<i64: 1, 3, 2048>}, {transform_indices = @transform_3, window_bounds = array<i64: 1, 3, 2048>}]} {
    %get3A = arith.constant 0 : index
    %get3A_0 = arith.constant 0 : index
    %get3A_1 = arith.constant 0 : index
    %get3A_2 = vector.load %arg2[%get3A, %get3A_0, %get3A_1] : memref<1x3x2048xf32, #tpu.memory_space<vmem>>, vector<1x3x2048xf32>
    %get3A_3 = vector.shape_cast %get3A_2 : vector<1x3x2048xf32> to vector<3x2048xf32>
    %get3A_4 = arith.constant 0 : index
    %get3A_5 = arith.constant 0 : index
    %get3A_6 = arith.constant 0 : index
    %get3A_7 = vector.load %arg3[%get3A_4, %get3A_5, %get3A_6] : memref<1x3x1024xf32, #tpu.memory_space<vmem>>, vector<1x3x1024xf32>
    %get3A_8 = vector.shape_cast %get3A_7 : vector<1x3x1024xf32> to vector<3x1024xf32>
    %mul3A = arith.mulf %get3A_3, %get3A_3 : vector<3x2048xf32>
    %reduce_sum3A = arith.constant dense<0.000000e+00> : vector<2048xf32>
    %reduce_sum3A_9 = vector.multi_reduction <add>, %mul3A, %reduce_sum3A [0] : vector<3x2048xf32> to vector<2048xf32>
    %mul3A_10 = arith.mulf %get3A_8, %get3A_8 : vector<3x1024xf32>
    %reduce_sum3A_11 = arith.constant dense<0.000000e+00> : vector<1024xf32>
    %reduce_sum3A_12 = vector.multi_reduction <add>, %mul3A_10, %reduce_sum3A_11 [0] : vector<3x1024xf32> to vector<1024xf32>
    %mul3A_13 = arith.constant -2.000000e+00 : f32
    %mul3A_14 = vector.broadcast %mul3A_13 : f32 to vector<3x1024xf32>
    %mul3A_15 = arith.mulf %mul3A_14, %get3A_8 : vector<3x1024xf32>
    %dot_general3A = arith.constant dense<0.000000e+00> : vector<1024x2048xf32>
    %dot_general3A_16 = tpu.matmul %mul3A_15, %get3A_3, %dot_general3A {dimension_numbers = #tpu.dot_dimension_numbers<[0], [0], [1], [1], [0, 1, 1, 1], [], []>, transpose_lhs_hint = false} : vector<3x1024xf32>, vector<3x2048xf32>, vector<1024x2048xf32> -> vector<1024x2048xf32>
    %broadcast_in_dim3A = vector.shape_cast %reduce_sum3A_12 : vector<1024xf32> to vector<1024x1xf32>
    %add3A = vector.broadcast %broadcast_in_dim3A : vector<1024x1xf32> to vector<1024x2048xf32>
    %add3A_17 = arith.addf %dot_general3A_16, %add3A : vector<1024x2048xf32>
    %broadcast_in_dim3A_18 = vector.shape_cast %reduce_sum3A_9 : vector<2048xf32> to vector<1x2048xf32>
    %add3A_19 = vector.broadcast %broadcast_in_dim3A_18 : vector<1x2048xf32> to vector<1024x2048xf32>
    %add3A_20 = arith.addf %add3A_17, %add3A_19 : vector<1024x2048xf32>
    %iota3A = tpu.iota {dimensions = array<i32: 0>} : vector<1024x2048xi32>
    %reduce_min3A = arith.constant dense<0x7F800000> : vector<2048xf32>
    %reduce_min3A_21 = vector.multi_reduction <minimumf>, %add3A_20, %reduce_min3A [0] : vector<1024x2048xf32> to vector<2048xf32>
    %broadcast_in_dim3A_22 = vector.shape_cast %reduce_min3A_21 : vector<2048xf32> to vector<1x2048xf32>
    %eq3A = vector.broadcast %broadcast_in_dim3A_22 : vector<1x2048xf32> to vector<1024x2048xf32>
    %eq3A_23 = arith.cmpf oeq, %add3A_20, %eq3A : vector<1024x2048xf32>
    %jit3A = arith.constant 1024 : i32
    %broadcast_in_dim3A_24 = vector.broadcast %jit3A : i32 to vector<1024x2048xi32>
    %select_n3A = arith.select %eq3A_23, %iota3A, %broadcast_in_dim3A_24 : vector<1024x2048xi1>, vector<1024x2048xi32>
    %reduce_min3A_25 = arith.constant dense<2147483647> : vector<2048xi32>
    %reduce_min3A_26 = vector.multi_reduction <minsi>, %select_n3A, %reduce_min3A_25 [0] : vector<1024x2048xi32> to vector<2048xi32>
    %broadcast_in_dim3A_27 = vector.shape_cast %reduce_min3A_26 : vector<2048xi32> to vector<1x2048xi32>
    %eq3A_28 = vector.broadcast %broadcast_in_dim3A_27 : vector<1x2048xi32> to vector<1024x2048xi32>
    %eq3A_29 = arith.cmpi eq, %iota3A, %eq3A_28 : vector<1024x2048xi32>
    %jit3A_30 = arith.constant 0x7F800000 : f32
    %broadcast_in_dim3A_31 = vector.broadcast %jit3A_30 : f32 to vector<1024x2048xf32>
    %select_n3A_32 = arith.select %eq3A_29, %broadcast_in_dim3A_31, %add3A_20 : vector<1024x2048xi1>, vector<1024x2048xf32>
    %reduce_min3A_33 = arith.constant dense<0x7F800000> : vector<2048xf32>
    %reduce_min3A_34 = vector.multi_reduction <minimumf>, %select_n3A_32, %reduce_min3A_33 [0] : vector<1024x2048xf32> to vector<2048xf32>
    %broadcast_in_dim3A_35 = vector.shape_cast %reduce_min3A_34 : vector<2048xf32> to vector<1x2048xf32>
    %eq3A_36 = vector.broadcast %broadcast_in_dim3A_35 : vector<1x2048xf32> to vector<1024x2048xf32>
    %eq3A_37 = arith.cmpf oeq, %select_n3A_32, %eq3A_36 : vector<1024x2048xf32>
    %jit3A_38 = arith.constant 1024 : i32
    %broadcast_in_dim3A_39 = vector.broadcast %jit3A_38 : i32 to vector<1024x2048xi32>
    %select_n3A_40 = arith.select %eq3A_37, %iota3A, %broadcast_in_dim3A_39 : vector<1024x2048xi1>, vector<1024x2048xi32>
    %reduce_min3A_41 = arith.constant dense<2147483647> : vector<2048xi32>
    %reduce_min3A_42 = vector.multi_reduction <minsi>, %select_n3A_40, %reduce_min3A_41 [0] : vector<1024x2048xi32> to vector<2048xi32>
    %broadcast_in_dim3A_43 = vector.shape_cast %reduce_min3A_42 : vector<2048xi32> to vector<1x2048xi32>
    %eq3A_44 = vector.broadcast %broadcast_in_dim3A_43 : vector<1x2048xi32> to vector<1024x2048xi32>
    %eq3A_45 = arith.cmpi eq, %iota3A, %eq3A_44 : vector<1024x2048xi32>
    %jit3A_46 = arith.constant 0x7F800000 : f32
    %broadcast_in_dim3A_47 = vector.broadcast %jit3A_46 : f32 to vector<1024x2048xf32>
    %select_n3A_48 = arith.select %eq3A_45, %broadcast_in_dim3A_47, %select_n3A_32 : vector<1024x2048xi1>, vector<1024x2048xf32>
    %reduce_min3A_49 = arith.constant dense<0x7F800000> : vector<2048xf32>
    %reduce_min3A_50 = vector.multi_reduction <minimumf>, %select_n3A_48, %reduce_min3A_49 [0] : vector<1024x2048xf32> to vector<2048xf32>
    %broadcast_in_dim3A_51 = vector.shape_cast %reduce_min3A_50 : vector<2048xf32> to vector<1x2048xf32>
    %eq3A_52 = vector.broadcast %broadcast_in_dim3A_51 : vector<1x2048xf32> to vector<1024x2048xf32>
    %eq3A_53 = arith.cmpf oeq, %select_n3A_48, %eq3A_52 : vector<1024x2048xf32>
    %jit3A_54 = arith.constant 1024 : i32
    %broadcast_in_dim3A_55 = vector.broadcast %jit3A_54 : i32 to vector<1024x2048xi32>
    %select_n3A_56 = arith.select %eq3A_53, %iota3A, %broadcast_in_dim3A_55 : vector<1024x2048xi1>, vector<1024x2048xi32>
    %reduce_min3A_57 = arith.constant dense<2147483647> : vector<2048xi32>
    %reduce_min3A_58 = vector.multi_reduction <minsi>, %select_n3A_56, %reduce_min3A_57 [0] : vector<1024x2048xi32> to vector<2048xi32>
    %max3A = arith.constant 1.000000e-10 : f32
    %max3A_59 = vector.broadcast %max3A : f32 to vector<2048xf32>
    %max3A_60 = arith.maximumf %reduce_min3A_21, %max3A_59 : vector<2048xf32>
    %sqrt3A = math.sqrt %max3A_60 : vector<2048xf32>
    %add3A_61 = arith.constant 9.99999993E-9 : f32
    %add3A_62 = vector.broadcast %add3A_61 : f32 to vector<2048xf32>
    %add3A_63 = arith.addf %sqrt3A, %add3A_62 : vector<2048xf32>
    %div3A = arith.constant 1.000000e+00 : f32
    %div3A_64 = vector.broadcast %div3A : f32 to vector<2048xf32>
    %div3A_65 = arith.divf %div3A_64, %add3A_63 : vector<2048xf32>
    %max3A_66 = arith.constant 1.000000e-10 : f32
    %max3A_67 = vector.broadcast %max3A_66 : f32 to vector<2048xf32>
    %max3A_68 = arith.maximumf %reduce_min3A_34, %max3A_67 : vector<2048xf32>
    %sqrt3A_69 = math.sqrt %max3A_68 : vector<2048xf32>
    %add3A_70 = arith.constant 9.99999993E-9 : f32
    %add3A_71 = vector.broadcast %add3A_70 : f32 to vector<2048xf32>
    %add3A_72 = arith.addf %sqrt3A_69, %add3A_71 : vector<2048xf32>
    %div3A_73 = arith.constant 1.000000e+00 : f32
    %div3A_74 = vector.broadcast %div3A_73 : f32 to vector<2048xf32>
    %div3A_75 = arith.divf %div3A_74, %add3A_72 : vector<2048xf32>
    %max3A_76 = arith.constant 1.000000e-10 : f32
    %max3A_77 = vector.broadcast %max3A_76 : f32 to vector<2048xf32>
    %max3A_78 = arith.maximumf %reduce_min3A_50, %max3A_77 : vector<2048xf32>
    %sqrt3A_79 = math.sqrt %max3A_78 : vector<2048xf32>
    %add3A_80 = arith.constant 9.99999993E-9 : f32
    %add3A_81 = vector.broadcast %add3A_80 : f32 to vector<2048xf32>
    %add3A_82 = arith.addf %sqrt3A_79, %add3A_81 : vector<2048xf32>
    %div3A_83 = arith.constant 1.000000e+00 : f32
    %div3A_84 = vector.broadcast %div3A_83 : f32 to vector<2048xf32>
    %div3A_85 = arith.divf %div3A_84, %add3A_82 : vector<2048xf32>
    %add3A_86 = arith.addf %div3A_65, %div3A_75 : vector<2048xf32>
    %add3A_87 = arith.addf %add3A_86, %div3A_85 : vector<2048xf32>
    %mul3A_88 = arith.constant 1024 : i32
    %mul3A_89 = arith.muli %arg0, %mul3A_88 : i32
    %add3A_90 = vector.broadcast %mul3A_89 : i32 to vector<2048xi32>
    %add3A_91 = arith.addi %reduce_min3A_26, %add3A_90 : vector<2048xi32>
    %broadcast_in_dim3A_92 = vector.shape_cast %add3A_91 : vector<2048xi32> to vector<1x2048xi32>
    %mul3A_93 = arith.constant 1024 : i32
    %mul3A_94 = arith.muli %arg0, %mul3A_93 : i32
    %add3A_95 = vector.broadcast %mul3A_94 : i32 to vector<2048xi32>
    %add3A_96 = arith.addi %reduce_min3A_42, %add3A_95 : vector<2048xi32>
    %broadcast_in_dim3A_97 = vector.shape_cast %add3A_96 : vector<2048xi32> to vector<1x2048xi32>
    %mul3A_98 = arith.constant 1024 : i32
    %mul3A_99 = arith.muli %arg0, %mul3A_98 : i32
    %add3A_100 = vector.broadcast %mul3A_99 : i32 to vector<2048xi32>
    %add3A_101 = arith.addi %reduce_min3A_58, %add3A_100 : vector<2048xi32>
    %broadcast_in_dim3A_102 = vector.shape_cast %add3A_101 : vector<2048xi32> to vector<1x2048xi32>
    %concatenate3A = tpu.concatenate %broadcast_in_dim3A_92, %broadcast_in_dim3A_97, %broadcast_in_dim3A_102 in 0 : vector<1x2048xi32>, vector<1x2048xi32>, vector<1x2048xi32> -> vector<3x2048xi32>
    %swap3A = arith.constant 0 : index
    %swap3A_103 = arith.constant 0 : index
    %swap3A_104 = arith.constant 0 : index
    %swap3A_105 = vector.load %arg4[%swap3A, %swap3A_103, %swap3A_104] : memref<1x3x2048xi32, #tpu.memory_space<vmem>>, vector<1x3x2048xi32>
    %swap3A_106 = vector.shape_cast %swap3A_105 : vector<1x3x2048xi32> to vector<3x2048xi32>
    %swap3A_107 = vector.shape_cast %concatenate3A : vector<3x2048xi32> to vector<1x3x2048xi32>
    tpu.vector_store %arg4[%swap3A, %swap3A_103, %swap3A_104], %swap3A_107 {strides = array<i32>} : memref<1x3x2048xi32, #tpu.memory_space<vmem>>, vector<1x3x2048xi32>,
    %div3A_108 = arith.divf %div3A_65, %add3A_87 : vector<2048xf32>
    %broadcast_in_dim3A_109 = vector.shape_cast %div3A_108 : vector<2048xf32> to vector<1x2048xf32>
    %div3A_110 = arith.divf %div3A_75, %add3A_87 : vector<2048xf32>
    %broadcast_in_dim3A_111 = vector.shape_cast %div3A_110 : vector<2048xf32> to vector<1x2048xf32>
    %div3A_112 = arith.divf %div3A_85, %add3A_87 : vector<2048xf32>
    %broadcast_in_dim3A_113 = vector.shape_cast %div3A_112 : vector<2048xf32> to vector<1x2048xf32>
    %concatenate3A_114 = tpu.concatenate %broadcast_in_dim3A_109, %broadcast_in_dim3A_111, %broadcast_in_dim3A_113 in 0 : vector<1x2048xf32>, vector<1x2048xf32>, vector<1x2048xf32> -> vector<3x2048xf32>
    %swap3A_115 = arith.constant 0 : index
    %swap3A_116 = arith.constant 0 : index
    %swap3A_117 = arith.constant 0 : index
    %swap3A_118 = vector.load %arg5[%swap3A_115, %swap3A_116, %swap3A_117] : memref<1x3x2048xf32, #tpu.memory_space<vmem>>, vector<1x3x2048xf32>
    %swap3A_119 = vector.shape_cast %swap3A_118 : vector<1x3x2048xf32> to vector<3x2048xf32>
    %swap3A_120 = vector.shape_cast %concatenate3A_114 : vector<3x2048xf32> to vector<1x3x2048xf32>
    tpu.vector_store %arg5[%swap3A_115, %swap3A_116, %swap3A_117], %swap3A_120 {strides = array<i32>} : memref<1x3x2048xf32, #tpu.memory_space<vmem>>, vector<1x3x2048xf32>,
    return
  }
  func.func @transform_0(%arg0: i32, %arg1: i32) -> (i32, i32, i32) {
    %c0_i32 = arith.constant 0 : i32
    %c0_i32_0 = arith.constant 0 : i32
    return %arg0, %c0_i32, %arg1 : i32, i32, i32
  }
  func.func @transform_1(%arg0: i32, %arg1: i32) -> (i32, i32, i32) {
    %c0_i32 = arith.constant 0 : i32
    %c0_i32_0 = arith.constant 0 : i32
    %c0_i32_1 = arith.constant 0 : i32
    return %arg0, %c0_i32, %c0_i32_0 : i32, i32, i32
  }
  func.func @transform_2(%arg0: i32, %arg1: i32) -> (i32, i32, i32) {
    %c0_i32 = arith.constant 0 : i32
    %c0_i32_0 = arith.constant 0 : i32
    return %arg0, %c0_i32, %arg1 : i32, i32, i32
  }
  func.func @transform_3(%arg0: i32, %arg1: i32) -> (i32, i32, i32) {
    %c0_i32 = arith.constant 0 : i32
    %c0_i32_0 = arith.constant 0 : i32
    return %arg0, %c0_i32, %arg1 : i32, i32, i32
  }
}

module attributes {stable_mosaic.version = 14 : i64} {
  func.func @_mlp_body(%arg0: i32, %arg1: i32, %arg2: memref<1x3x4096x32xf32, #tpu.memory_space<vmem>>, %arg3: memref<1x3x4096xf32, #tpu.memory_space<vmem>>, %arg4: memref<64x32xf32, #tpu.memory_space<vmem>>, %arg5: memref<64x1xf32, #tpu.memory_space<vmem>>, %arg6: memref<64x64xf32, #tpu.memory_space<vmem>>, %arg7: memref<64x1xf32, #tpu.memory_space<vmem>>, %arg8: memref<1x64x4096xf32, #tpu.memory_space<vmem>>) attributes {dimension_semantics = [#tpu.dimension_semantics<arbitrary>, #tpu.dimension_semantics<arbitrary>], iteration_bounds = array<i64: 4, 4>, scalar_prefetch = 0 : i64, scratch_operands = 0 : i64, tpu.core_type = #tpu.core_type<tc>, window_params = [{transform_indices = @transform_0, window_bounds = array<i64: 1, 3, 4096, 32>}, {transform_indices = @transform_1, window_bounds = array<i64: 1, 3, 4096>}, {pipeline_mode = #tpu.pipeline_mode<synchronous>, transform_indices = @transform_2, window_bounds = array<i64: 64, 32>}, {pipeline_mode = #tpu.pipeline_mode<synchronous>, transform_indices = @transform_3, window_bounds = array<i64: 64, 1>}, {pipeline_mode = #tpu.pipeline_mode<synchronous>, transform_indices = @transform_4, window_bounds = array<i64: 64, 64>}, {pipeline_mode = #tpu.pipeline_mode<synchronous>, transform_indices = @transform_5, window_bounds = array<i64: 64, 1>}, {transform_indices = @transform_6, window_bounds = array<i64: 1, 64, 4096>}]} {
    %get3A = arith.constant 0 : index
    %get3A_0 = arith.constant 0 : index
    %get3A_1 = arith.constant 0 : index
    %get3A_2 = arith.constant 0 : index
    %get3A_3 = vector.load %arg2[%get3A, %get3A_0, %get3A_1, %get3A_2] : memref<1x3x4096x32xf32, #tpu.memory_space<vmem>>, vector<1x3x4096x32xf32>
    %get3A_4 = vector.shape_cast %get3A_3 : vector<1x3x4096x32xf32> to vector<3x4096x32xf32>
    %get3A_5 = arith.constant 0 : index
    %get3A_6 = arith.constant 0 : index
    %get3A_7 = arith.constant 0 : index
    %get3A_8 = vector.load %arg3[%get3A_5, %get3A_6, %get3A_7] : memref<1x3x4096xf32, #tpu.memory_space<vmem>>, vector<1x3x4096xf32>
    %get3A_9 = vector.shape_cast %get3A_8 : vector<1x3x4096xf32> to vector<3x4096xf32>
    %slice3A = vector.extract_strided_slice %get3A_4 {offsets = [0, 0, 0], sizes = [1, 4096, 32], strides = [1, 1, 1]} : vector<3x4096x32xf32> to vector<1x4096x32xf32>
    %squeeze3A = vector.shape_cast %slice3A : vector<1x4096x32xf32> to vector<4096x32xf32>
    %slice3A_10 = vector.extract_strided_slice %get3A_9 {offsets = [0, 0], sizes = [1, 4096], strides = [1, 1]} : vector<3x4096xf32> to vector<1x4096xf32>
    %squeeze3A_11 = vector.shape_cast %slice3A_10 : vector<1x4096xf32> to vector<4096xf32>
    %broadcast_in_dim3A = vector.shape_cast %squeeze3A_11 : vector<4096xf32> to vector<4096x1xf32>
    %mul3A = vector.broadcast %broadcast_in_dim3A : vector<4096x1xf32> to vector<4096x32xf32>
    %mul3A_12 = arith.mulf %squeeze3A, %mul3A : vector<4096x32xf32>
    %slice3A_13 = vector.extract_strided_slice %get3A_4 {offsets = [1, 0, 0], sizes = [1, 4096, 32], strides = [1, 1, 1]} : vector<3x4096x32xf32> to vector<1x4096x32xf32>
    %squeeze3A_14 = vector.shape_cast %slice3A_13 : vector<1x4096x32xf32> to vector<4096x32xf32>
    %slice3A_15 = vector.extract_strided_slice %get3A_9 {offsets = [1, 0], sizes = [1, 4096], strides = [1, 1]} : vector<3x4096xf32> to vector<1x4096xf32>
    %squeeze3A_16 = vector.shape_cast %slice3A_15 : vector<1x4096xf32> to vector<4096xf32>
    %broadcast_in_dim3A_17 = vector.shape_cast %squeeze3A_16 : vector<4096xf32> to vector<4096x1xf32>
    %mul3A_18 = vector.broadcast %broadcast_in_dim3A_17 : vector<4096x1xf32> to vector<4096x32xf32>
    %mul3A_19 = arith.mulf %squeeze3A_14, %mul3A_18 : vector<4096x32xf32>
    %add3A = arith.addf %mul3A_12, %mul3A_19 : vector<4096x32xf32>
    %slice3A_20 = vector.extract_strided_slice %get3A_4 {offsets = [2, 0, 0], sizes = [1, 4096, 32], strides = [1, 1, 1]} : vector<3x4096x32xf32> to vector<1x4096x32xf32>
    %squeeze3A_21 = vector.shape_cast %slice3A_20 : vector<1x4096x32xf32> to vector<4096x32xf32>
    %slice3A_22 = vector.extract_strided_slice %get3A_9 {offsets = [2, 0], sizes = [1, 4096], strides = [1, 1]} : vector<3x4096xf32> to vector<1x4096xf32>
    %squeeze3A_23 = vector.shape_cast %slice3A_22 : vector<1x4096xf32> to vector<4096xf32>
    %broadcast_in_dim3A_24 = vector.shape_cast %squeeze3A_23 : vector<4096xf32> to vector<4096x1xf32>
    %mul3A_25 = vector.broadcast %broadcast_in_dim3A_24 : vector<4096x1xf32> to vector<4096x32xf32>
    %mul3A_26 = arith.mulf %squeeze3A_21, %mul3A_25 : vector<4096x32xf32>
    %add3A_27 = arith.addf %add3A, %mul3A_26 : vector<4096x32xf32>
    %transpose3A = tpu.transpose %add3A_27, [1, 0] : vector<4096x32xf32> -> vector<32x4096xf32>
    %get3A_28 = arith.constant 0 : index
    %get3A_29 = arith.constant 0 : index
    %get3A_30 = vector.load %arg4[%get3A_28, %get3A_29] : memref<64x32xf32, #tpu.memory_space<vmem>>, vector<64x32xf32>
    %dot_general3A = arith.constant dense<0.000000e+00> : vector<64x4096xf32>
    %dot_general3A_31 = tpu.matmul %get3A_30, %transpose3A, %dot_general3A {dimension_numbers = #tpu.dot_dimension_numbers<[1], [0], [0], [1], [0, 0, 1, 1], [], []>, transpose_lhs_hint = false} : vector<64x32xf32>, vector<32x4096xf32>, vector<64x4096xf32> -> vector<64x4096xf32>
    %get3A_32 = arith.constant 0 : index
    %get3A_33 = arith.constant 0 : index
    %get3A_34 = vector.load %arg5[%get3A_32, %get3A_33] : memref<64x1xf32, #tpu.memory_space<vmem>>, vector<64x1xf32>
    %add3A_35 = vector.broadcast %get3A_34 : vector<64x1xf32> to vector<64x4096xf32>
    %add3A_36 = arith.addf %dot_general3A_31, %add3A_35 : vector<64x4096xf32>
    %max3A = arith.constant 0.000000e+00 : f32
    %max3A_37 = vector.broadcast %max3A : f32 to vector<64x4096xf32>
    %max3A_38 = arith.maximumf %add3A_36, %max3A_37 : vector<64x4096xf32>
    %get3A_39 = arith.constant 0 : index
    %get3A_40 = arith.constant 0 : index
    %get3A_41 = vector.load %arg6[%get3A_39, %get3A_40] : memref<64x64xf32, #tpu.memory_space<vmem>>, vector<64x64xf32>
    %dot_general3A_42 = arith.constant dense<0.000000e+00> : vector<64x4096xf32>
    %dot_general3A_43 = tpu.matmul %get3A_41, %max3A_38, %dot_general3A_42 {dimension_numbers = #tpu.dot_dimension_numbers<[1], [0], [0], [1], [0, 0, 1, 1], [], []>, transpose_lhs_hint = false} : vector<64x64xf32>, vector<64x4096xf32>, vector<64x4096xf32> -> vector<64x4096xf32>
    %get3A_44 = arith.constant 0 : index
    %get3A_45 = arith.constant 0 : index
    %get3A_46 = vector.load %arg7[%get3A_44, %get3A_45] : memref<64x1xf32, #tpu.memory_space<vmem>>, vector<64x1xf32>
    %add3A_47 = vector.broadcast %get3A_46 : vector<64x1xf32> to vector<64x4096xf32>
    %add3A_48 = arith.addf %dot_general3A_43, %add3A_47 : vector<64x4096xf32>
    %max3A_49 = arith.constant 0.000000e+00 : f32
    %max3A_50 = vector.broadcast %max3A_49 : f32 to vector<64x4096xf32>
    %max3A_51 = arith.maximumf %add3A_48, %max3A_50 : vector<64x4096xf32>
    %swap3A = arith.constant 0 : index
    %swap3A_52 = arith.constant 0 : index
    %swap3A_53 = arith.constant 0 : index
    %swap3A_54 = vector.load %arg8[%swap3A, %swap3A_52, %swap3A_53] : memref<1x64x4096xf32, #tpu.memory_space<vmem>>, vector<1x64x4096xf32>
    %swap3A_55 = vector.shape_cast %swap3A_54 : vector<1x64x4096xf32> to vector<64x4096xf32>
    %swap3A_56 = vector.shape_cast %max3A_51 : vector<64x4096xf32> to vector<1x64x4096xf32>
    tpu.vector_store %arg8[%swap3A, %swap3A_52, %swap3A_53], %swap3A_56 {strides = array<i32>} : memref<1x64x4096xf32, #tpu.memory_space<vmem>>, vector<1x64x4096xf32>,
    return
  }
  func.func @transform_0(%arg0: i32, %arg1: i32) -> (i32, i32, i32, i32) {
    %c0_i32 = arith.constant 0 : i32
    %c0_i32_0 = arith.constant 0 : i32
    %c0_i32_1 = arith.constant 0 : i32
    return %arg0, %c0_i32, %arg1, %c0_i32_0 : i32, i32, i32, i32
  }
  func.func @transform_1(%arg0: i32, %arg1: i32) -> (i32, i32, i32) {
    %c0_i32 = arith.constant 0 : i32
    %c0_i32_0 = arith.constant 0 : i32
    return %arg0, %c0_i32, %arg1 : i32, i32, i32
  }
  func.func @transform_2(%arg0: i32, %arg1: i32) -> (i32, i32) {
    %c0_i32 = arith.constant 0 : i32
    %c0_i32_0 = arith.constant 0 : i32
    %c0_i32_1 = arith.constant 0 : i32
    return %c0_i32, %c0_i32_0 : i32, i32
  }
  func.func @transform_3(%arg0: i32, %arg1: i32) -> (i32, i32) {
    %c0_i32 = arith.constant 0 : i32
    %c0_i32_0 = arith.constant 0 : i32
    %c0_i32_1 = arith.constant 0 : i32
    return %c0_i32, %c0_i32_0 : i32, i32
  }
  func.func @transform_4(%arg0: i32, %arg1: i32) -> (i32, i32) {
    %c0_i32 = arith.constant 0 : i32
    %c0_i32_0 = arith.constant 0 : i32
    %c0_i32_1 = arith.constant 0 : i32
    return %c0_i32, %c0_i32_0 : i32, i32
  }
  func.func @transform_5(%arg0: i32, %arg1: i32) -> (i32, i32) {
    %c0_i32 = arith.constant 0 : i32
    %c0_i32_0 = arith.constant 0 : i32
    %c0_i32_1 = arith.constant 0 : i32
    return %c0_i32, %c0_i32_0 : i32, i32
  }
  func.func @transform_6(%arg0: i32, %arg1: i32) -> (i32, i32, i32) {
    %c0_i32 = arith.constant 0 : i32
    %c0_i32_0 = arith.constant 0 : i32
    return %arg0, %c0_i32, %arg1 : i32, i32, i32
  }
}

</mosaic_0001>

<sc_bundles>
// kernel: kernel.5.cloned.1.call-start
scs
__scs_entry_jumppad:
0x0: {  	(pc) =	sbr.rel $0x88, $3  }
0x1: {  	(tag) =	ssettag $0x0;
	lr =	simm.s32 $0x1  }
0x2: {  	[smem:$0x3F99] =	sst lr;
	_ =	strace $0xD0000000  }
0x3: {  	_ = 	snop  }
0x4: {  	_ = 	snop  }
0x5: {  	_ = 	snop  }
0x6: {  	_ = 	snop  }
0x7: {  	_ = 	snop  }
__scs_overlays_trampoline_lowered:
0x8: {  	[smem:$0x3FA8] =	sst s0  }
0x9: {  	[smem:$0x3FA9] =	sst s1  }
0xa: {  	[smem:$0x3FAA] =	sst s2  }
0xb: {  	[smem:$0x3FAB] =	sst s3  }
0xc: {  	[smem:$0x3FAC] =	sst s4  }
0xd: {  	[smem:$0x3FAD] =	sst s5  }
0xe: {  	[smem:$0x3FAE] =	sst s6  }
0xf: {  	[smem:$0x3FAF] =	sst s7  }
0x10: {  	[smem:$0x3FB0] =	sst s8  }
0x11: {  	[smem:$0x3FB1] =	sst s9;
	s0 =	simm.s32 @!p0 $0x0  }
0x12: {  	s1 =	sld [smem:$0x3F97];
	s0 =	simm.s32 @p0 $0x1  }
0x13: {  	[smem:$0x3FB2] =	sst s0;
	s0 =	simm.s32 @!p1 $0x0  }
0x14: {  	s2 =	sld [smem:$0x3F96];
	s0 =	simm.s32 @p1 $0x1  }
0x15: {  	[smem:$0x3FB3] =	sst s0;
	s0 =	simm.s32 @!p2 $0x0  }
0x16: {  	s3 =	sld [smem:$0x3FDB];
	s0 =	simm.s32 @p2 $0x1  }
0x17: {  	s4 =	simm.s32 $0x1BF5;
	[smem:$0x3FB5] =	sst s0  }
0x18: {  	s0 =	sld [smem:$0x3F98];
	_ =	swait.ge [sflag:s4], $0x0  }
0x19: {  	s7 =	sld [smem:$0x3F99]  }
0x1a: {  	s8 =	sadd.s32 $0xFFFFE003, lr  }
0x1b: {  	s9 =	sadd.s32 $0xFFFFFEF7, lr;
	s5 =	simm.s32 $0xFFFFFFFF;
	p2 =	slt.u32 s8, $0xFFFFF086  }
0x1c: {  	p1 =	slt.u32 s9, $0xF7A;
	s5 =	simm.s32 @!p2 $0x0  }
0x1d: {  	s5 =	simm.s32 @p1 $0x1;
	p0 =	seq.s32 s7, s2  }
0x1e: {  	s7 =	smul.u32 @!p0 $0xF7A, s2;
	p2 =	seq.s32 @!p0 s5, $0x0  }
0x1f: {  	s9 =	smul.u32 $0xF7A, s1;
	s8 =	simm.s32 @!p0 $0x1BF5;
	p2 =	por !p2, p0  }
0x20: {  	[sflag:s8] =	ssyncset.s32 @!p0 $0xFFFFF086;
	s6 =	sadd.s32 @!p0 s3, s7;
	s7 =	simm.s32 @!p0 $0x108  }
0x21: {  	s3 =	sadd.s32 s3, s9;
	s6 =	sadd.s32 @!p0 $0x88, s6;
	s7 =	simm.s32 @p2 $0x1082  }
0x22: {  	[simem:s7], [sflag:s8] =	dma.local @!p0 [hbm:s6], $0xF7A  }
0x23: {  	s9 =	sor.u32 $0xD0000000, s2;
	s6 =	simm.s32 $0x108;
	_ =	swait.ge @!p0 [sflag:s8], $0x0  }
0x24: {  	s3 =	sadd.s32 $0x88, s3;
	s6 =	simm.s32 @!p1 $0x1082;
	[sflag:s4] =	ssyncset.s32 $0xFFFFF086  }
0x25: {  	[simem:s6], [sflag:s4] =	dma.local [hbm:s3], $0xF7A  }
0x26: {  	[smem:$0x3F99] =	sst s1;
	(tag) =	ssettag s2;
	_ =	strace s9  }
0x27: {  	s1 =	sld [smem:$0x3FA9]  }
0x28: {  	s2 =	sld [smem:$0x3FAA]  }
0x29: {  	s4 =	sld [smem:$0x3FAC]  }
0x2a: {  	p0 =	seq.s32 s5, $0x0;
	s5 =	sld [smem:$0x3FAD]  }
0x2b: {  	s6 =	sld [smem:$0x3FAE]  }
0x2c: {  	s7 =	sld [smem:$0x3FAF]  }
0x2d: {  	s3 =	simm.s32 $0x108;
	s8 =	sld [smem:$0x3FB0]  }
0x2e: {  	s3 =	simm.s32 @!p0 $0x1082;
	s9 =	sld [smem:$0x3FB1]  }
0x2f: {  	lr =	sadd.s32 s0, s3;
	s0 =	sld [smem:$0x3FA8]  }
0x30: {  	s3 =	sld [smem:$0x3FAB]  }
0x31: {  	[smem:$0x3FB4] =	sst s10  }
0x32: {  	s10 =	sld [smem:$0x3FB2];
	_ =	sdelay $0x3  }
0x33: {  	p0 =	seq.s32 s10, $0x1;
	s10 =	sld [smem:$0x3FB4];
	_ =	sdelay $0x3  }
0x34: {  	[smem:$0x3FB4] =	sst s10  }
0x35: {  	s10 =	sld [smem:$0x3FB3];
	_ =	sdelay $0x3  }
0x36: {  	p1 =	seq.s32 s10, $0x1;
	s10 =	sld [smem:$0x3FB4];
	_ =	sdelay $0x3  }
0x37: {  	[smem:$0x3FB4] =	sst s10  }
0x38: {  	s10 =	sld [smem:$0x3FB5]  }
0x39: {  	_ = 	snop;
	(pc) =	sbr.ind lr, $3  }
0x3a: {  	_ = 	snop  }
0x3b: {  	_ = 	snop  }
0x3c: {  	p2 =	seq.s32 s10, $0x1;
	s10 =	sld [smem:$0x3FB4]  }
0x3d: {  	_ =	shalt  }
0x3e: {  	_ =	shalt  }
0x3f: {  	_ =	shalt  }
0x40: {  	_ =	shalt  }
0x41: {  	_ =	shalt  }
0x42: {  	_ =	shalt  }
0x43: {  	_ =	shalt  }
0x44: {  	_ =	shalt  }
0x45: {  	_ =	shalt  }
0x46: {  	_ =	shalt  }
0x47: {  	_ =	shalt  }
0x48: {  	_ =	shalt  }
0x49: {  	_ =	shalt  }
0x4a: {  	_ =	shalt  }
0x4b: {  	_ =	shalt  }
0x4c: {  	_ =	shalt  }
0x4d: {  	_ =	shalt  }
0x4e: {  	_ =	shalt  }
0x4f: {  	_ =	shalt  }
0x50: {  	_ =	shalt  }
0x51: {  	_ =	shalt  }
0x52: {  	_ =	shalt  }
0x53: {  	_ =	shalt  }
0x54: {  	_ =	shalt  }
0x55: {  	_ =	shalt  }
0x56: {  	_ =	shalt  }
0x57: {  	_ =	shalt  }
0x58: {  	_ =	shalt  }
0x59: {  	_ =	shalt  }
0x5a: {  	_ =	shalt  }
0x5b: {  	_ =	shalt  }
0x5c: {  	_ =	shalt  }
0x5d: {  	_ =	shalt  }
0x5e: {  	_ =	shalt  }
0x5f: {  	_ =	shalt  }
0x60: {  	_ =	shalt  }
0x61: {  	_ =	shalt  }
0x62: {  	_ =	shalt  }
0x63: {  	_ =	shalt  }
0x64: {  	_ =	shalt  }
0x65: {  	_ =	shalt  }
0x66: {  	_ =	shalt  }
0x67: {  	_ =	shalt  }
0x68: {  	_ =	shalt  }
0x69: {  	_ =	shalt  }
0x6a: {  	_ =	shalt  }
0x6b: {  	_ =	shalt  }
0x6c: {  	_ =	shalt  }
0x6d: {  	_ =	shalt  }
0x6e: {  	_ =	shalt  }
0x6f: {  	_ =	shalt  }
0x70: {  	_ =	shalt  }
0x71: {  	_ =	shalt  }
0x72: {  	_ =	shalt  }
0x73: {  	_ =	shalt  }
0x74: {  	_ =	shalt  }
0x75: {  	_ =	shalt  }
0x76: {  	_ =	shalt  }
0x77: {  	_ =	shalt  }
0x78: {  	_ =	shalt  }
0x79: {  	_ =	shalt  }
0x7a: {  	_ =	shalt  }
0x7b: {  	_ =	shalt  }
0x7c: {  	_ =	shalt  }
0x7d: {  	_ =	shalt  }
0x7e: {  	_ =	shalt  }
0x7f: {  	_ =	shalt  }
0x80: {  	_ =	shalt  }
0x81: {  	_ =	shalt  }
0x82: {  	_ =	shalt  }
0x83: {  	_ =	shalt  }
0x84: {  	_ =	shalt  }
0x85: {  	_ =	shalt  }
0x86: {  	_ =	shalt  }
0x87: {  	_ =	shalt  }
.Lfunc_end0:
.L_simem_size_0:
called_computation_lowered:
.L_overlay_start_0:
0x88: {  	s2 =	sld [smem:$0x3FD9]  }
0x89: {  	s3 =	sld [smem:$0x3FFE];
	_ =	sdelay $0x1  }
0x8a: {  	s1 =	srdreg.scid  }
0x8b: {  	s0 =	sand.u32 $0x1, s1  }
0x8c: {  	s14 =	sshll.u32 s0, $0xA;
	s2 =	sadd.s32 s3, s2  }
0x8d: {  	s2 =	sadd.s32 s2, s14  }
0x8e: {  	[smem:$0x3FC0] =	sst s2  }
0x8f: {  	_ = 	snop  }
0x90: {  	s2 =	sld [smem:$0x3FD0];
	_ =	sdelay $0x2  }
0x91: {  	s15 =	simm.s32 $0xA;
	s4 =	simm.s32 $0x10  }
0x92: {  	[smem:s4], [sflag:s15] =	dma.local [hbm:s2], $0x1  }
0x93: {  	_ =	swait.eq [sflag:s15], $0x1  }
0x94: {  	[sflag:s15] =	ssyncset.done $0x0  }
0x95: {  	s16 =	sld [smem:$0x10];
	[sflag:s15] =	ssyncadd.s32 $0xFFFFFFFF  }
0x96: {  	s17 =	sld [smem:$0x11];
	(tm) =	ssettm $0x1  }
0x97: {  	s18 =	sld [smem:$0x3FFB];
	_ =	sdelay $0x3  }
0x98: {  	_ =	strace s18  }
0x99: {  	s4 =	sld [smem:$0x3FFC];
	_ =	sdelay $0x3  }
0x9a: {  	_ =	strace s4  }
0x9b: {  	s4 =	sld [smem:$0x3FFD];
	_ =	sdelay $0x3  }
0x9c: {  	_ =	strace s4  }
0x9d: {  	_ =	strace $0x8FFFFFFF  }
0x9e: {  	s19 =	sld [smem:$0x3FDB];
	_ =	sdelay $0x1  }
0x9f: {  	s5 =	simm.s32 $_scs_section_size  }
0xa0: {  	s6 =	simm.s32 $_size__tile_overlayer_lowered;
	s7 =	simm.s32 $_tile_overlayer_lowered  }
0xa1: {  	s22 =	simm.s32 $0x1BFF;
	s21 =	sshll.u32 s7, $0x1;
	s4 =	sadd.s32 s5, s19  }
0xa2: {  	s8 =	simm.s32 $0x0;
	s20 =	sshll.u32 s6, $0x1;
	s6 =	sadd.s32 s21, s4  }
0xa3: {  	[timem:s8], [sflag:s22] =	dma.local [hbm:s6], s20  }
0xa4: {  	_ =	swait.ge [sflag:s22], s20  }
0xa5: {  	s5 =	ssub.s32 $0x0, s20;
	[sflag:s22] =	ssyncset.done $0x0  }
0xa6: {  	[sflag:s22] =	ssyncadd.s32 s5;
	_ =	sdelay $0x1  }
0xa7: {  	s23 =	simm.s32 $0x1B8B  }
0xa8: {  	_ =	swait.ge [sflag:s23], $0x1  }
0xa9: {  	[sflag:s23] =	ssyncset.done $0x0  }
0xaa: {  	s25 =	simm.s32 $0x1B8E;
	s24 =	sld [smem:$0x3FFE];
	[sflag:s23] =	ssyncadd.s32 $0xFFFFFFFF  }
0xab: {  	s26 =	simm.s32 $execute0_lowered;
	[smem:$0x3FD2] =	sst s25  }
0xac: {  	s6 =	sshll.u32 s26, $0x1;
	_ =	strace $0x80000046;
	[dreg:$0x1] =	wrdreg $0xFFFFFFFF  }
0xad: {  	s28 =	simm.s32 $_size_execute0_lowered;
	s4 =	sadd.s32 s4, s6;
	[dreg:$0x0] =	wrdreg $0x0  }
0xae: {  	s6 =	sshll.u32 s28, $0x1;
	[dreg:$0x2] =	wrdreg s4  }
0xaf: {  	[dreg:$0x3] =	wrdreg s6  }
0xb0: {  	[dreg:$0x4] =	wrdreg $0xC0  }
0xb1: {  	_ =	task [dreg:s8], $0x5FFFF  }
0xb2: {  	[dreg:$0x1] =	wrdreg $0xFFFFFFFF  }
0xb3: {  	[dreg:$0x0] =	wrdreg $0x60  }
0xb4: {  	[dreg:$0x2] =	wrdreg s16  }
0xb5: {  	[dreg:$0x3] =	wrdreg s17  }
0xb6: {  	[dreg:$0x4] =	wrdreg s24  }
0xb7: {  	[dreg:$0x5] =	wrdreg $0x9  }
0xb8: {  	_ =	task.clear_ibuf [dreg:s8], $0x6FFFF;
	_ =	strace $0x90000046  }
0xb9: {  	s29 =	simm.s32 $0x9;
	_ =	strace $0x80000048  }
0xba: {  	_ =	swait.ge [sflag:s29], $0x1  }
0xbb: {  	[sflag:s29] =	ssyncadd.s32 $0xFFFFFFFF  }
0xbc: {  	_ =	strace $0x90000048  }
0xbd: {  	_ =	sfence  }
0xbe: {  	s30 =	sld [smem:$0x0];
	_ =	sdelay $0x2  }
0xbf: {  	s31 =	sshll.u32 s1, $0xD;
	s1 =	sshrl.u32 s1, $0x2  }
0xc0: {  	s3 =	sand.u32 $0x4000, s31;
	s1 =	sadd.s32 s1, s30  }
0xc1: {  	s0 =	sor.u32 s3, s0;
	s1 =	sshll.u32 s1, $0x11  }
0xc2: {  	s0 =	sor.u32 s1, s0  }
0xc3: {  	s0 =	sadd.s32 $0x8F2B, s0  }
0xc4: {  	[sflag:s0] =	ssyncadd.remote.s32 $0x1  }
0xc5: {  	_ =	sfence.sel $0xFFFF  }
0xc6: {  	[dreg:$0x0] =	wrdreg $0xFFFFFFFF;
	(pc) =	sbr.abs _section_cstart, $3  }
0xc7: {  	[dreg:$0x1] =	wrdreg $0xFFFFFFFF  }
0xc8: {  	_ =	task.clear_ibuf [dreg:s8], $0x2FFFF;
	_ =	strace $0x9FFFFFFF  }
0xc9: {  	(tm) =	ssettm $0x7FFFFFFF  }
tec
execute0_lowered:
.L_overlay_start_1:
0x0: {  	(tag) =	ssettag $0x1  }
0x1: {  	s1 =	rddreg [dreg:$0x0]  }
0x2: {  	s7 =	stileid.u32;
	s2 =	rddreg [dreg:$0x1]  }
0x3: {  	s0 =	srdreg.scid;
	s5 =	rddreg [dreg:$0x2];
	s3 =	simm.s32 $0x0  }
0x4: {  	s18 =	simm.s32 $0x1800;
	s20 =	simm.s32 $0x100;
	s21 =	simm.s32 $0x2800  }
0x5: {  	s22 =	simm.s32 $0x180;
	s23 =	simm.s32 $0x3800;
	s24 =	simm.s32 $0x200  }
0x6: {  	s25 =	simm.s32 $0x4800;
	s26 =	simm.s32 $0x280;
	s31 =	simm.s32 $0x5800  }
0x7: {  	s8 =	simm.s32 $0x800;
	s9 =	simm.s32 $0x300;
	[smem:$0x7FF] =	sst s3  }
0x8: {  	s10 =	simm.s32 $0x6800;
	_ =	strace $0x80000047;
	[dreg:$0x5] =	wrdreg s18  }
0x9: {  	s11 =	simm.s32 $0x380;
	s12 =	simm.s32 $0x7800;
	[dreg:$0x6] =	wrdreg s20  }
0xa: {  	s13 =	simm.s32 $0x400;
	s14 =	simm.s32 $0x8800;
	[dreg:$0x7] =	wrdreg s21  }
0xb: {  	s15 =	simm.s32 $0x480;
	s16 =	simm.s32 $0x9800;
	[dreg:$0x8] =	wrdreg s22  }
0xc: {  	s28 =	simm.s32 $0x780;
	s29 =	simm.s32 $0xF800;
	[dreg:$0x9] =	wrdreg s23  }
0xd: {  	s30 =	simm.s32 $0x1;
	s4 =	smul.u32 $0x3000, s7;
	[dreg:$0xa] =	wrdreg s24  }
0xe: {  	s0 =	sand.u32 $0x1, s0;
	s7 =	smul.u32 $0xC000, s7;
	[dreg:$0xb] =	wrdreg s25  }
0xf: {  	s6 =	smul.u32 $0x1800, s0;
	s17 =	ssub.s32 $0x2, s0;
	[dreg:$0xc] =	wrdreg s26  }
0x10: {  	s0 =	smul.u32 $0x6000, s0;
	[dreg:$0xd] =	wrdreg s31;
	s18 =	simm.s32 $0xA800  }
0x11: {  	s20 =	simm.s32 $0xB800;
	s21 =	simm.s32 $0x600;
	s22 =	simm.s32 $0xC800  }
0x12: {  	s23 =	simm.s32 $0x680;
	s24 =	simm.s32 $0xD800;
	s25 =	simm.s32 $0x700  }
0x13: {  	s26 =	simm.s32 $0xE800;
	s5 =	sadd.s32 s7, s5;
	s19 =	sshrl.u32 s17, $0x1  }
0x14: {  	s7 =	simm.s32 $0x80;
	s4 =	sadd.s32 s6, s4;
	s0 =	sadd.s32 s0, s5  }
0x15: {  	s6 =	simm.s32 $0x2;
	s4 =	sshrl.u32 s4, $0x3;
	s0 =	sadd.s32 $0x1200, s0  }
0x16: {  	s2 =	sadd.s32 s4, s2;
	s4 =	ssub.s32 s17, s19;
	[dreg:$0xf] =	wrdreg s0  }
0x17: {  	s17 =	simm.s32 $0x500;
	[dreg:$0x4] =	wrdreg s2;
	s4 =	smax.u32 s4, $0x1  }
0x18: {  	s19 =	simm.s32 $0x580;
	s2 =	simm.s32 $0x0;
	[dreg:$0xe] =	wrdreg s4  }
.LBB2_1:
0x19: {  	s0 =	rddreg [dreg:$0x4]  }
0x1a: {  	[dreg:$0x10] =	wrdreg s2;
	s0 =	sadd.s32 $0x0, s0  }
0x1b: {  	[tilespmem:s3], [sflag:$0x2] =	stream.linear.gather [hbm4b:s0+s3], $0x800, $0x38;
	[tilespmem:$0x10800] =	vst v63  }
0x1c: {  	_ =	swait.ge [sflag:s6], $0x800  }
0x1d: {  	s0 =	rddreg [dreg:$0x6]  }
0x1e: {  	[sflag:s6] =	ssyncset.done $0x0;
	s31 =	rddreg [dreg:$0x5]  }
0x1f: {  	s5 =	rddreg [dreg:$0x7];
	[sflag:s6] =	ssyncadd.s32 $0xFFFFF800  }
0x20: {  	[tilespmem:s8], [sflag:$0x1] =	stream.indirect.gather [hbm4b:s1+s7], $0x20, s3, s7, $0xb8;
	[tilespmem:$0x10800] =	vst v63  }
0x21: {  	s4 =	rddreg [dreg:$0x9]  }
0x22: {  	[tilespmem:s31], [sflag:$0x1] =	stream.indirect.gather [hbm4b:s1+s7], $0x20, s7, s7, $0xb8;
	[tilespmem:$0x10800] =	vst v63  }
0x23: {  	s31 =	rddreg [dreg:$0x8]  }
0x24: {  	[tilespmem:s5], [sflag:$0x1] =	stream.indirect.gather [hbm4b:s1+s7], $0x20, s0, s7, $0xb8;
	[tilespmem:$0x10800] =	vst v63  }
0x25: {  	s0 =	rddreg [dreg:$0xb]  }
0x26: {  	s5 =	rddreg [dreg:$0xa]  }
0x27: {  	[tilespmem:s4], [sflag:$0x1] =	stream.indirect.gather [hbm4b:s1+s7], $0x20, s31, s7, $0xb8;
	[tilespmem:$0x10800] =	vst v63  }
0x28: {  	s4 =	rddreg [dreg:$0xd]  }
0x29: {  	[tilespmem:s0], [sflag:$0x1] =	stream.indirect.gather [hbm4b:s1+s7], $0x20, s5, s7, $0xb8;
	[tilespmem:$0x10800] =	vst v63  }
0x2a: {  	s31 =	rddreg [dreg:$0xc]  }
0x2b: {  	[tilespmem:s4], [sflag:$0x1] =	stream.indirect.gather [hbm4b:s1+s7], $0x20, s31, s7, $0xb8;
	[tilespmem:$0x10800] =	vst v63  }
0x2c: {  	_ = 	snop  }
0x2d: {  	[tilespmem:s10], [sflag:$0x1] =	stream.indirect.gather [hbm4b:s1+s7], $0x20, s9, s7, $0xb8;
	[tilespmem:$0x10800] =	vst v63  }
0x2e: {  	_ = 	snop  }
0x2f: {  	[tilespmem:s12], [sflag:$0x1] =	stream.indirect.gather [hbm4b:s1+s7], $0x20, s11, s7, $0xb8;
	[tilespmem:$0x10800] =	vst v63  }
0x30: {  	_ = 	snop  }
0x31: {  	[tilespmem:s14], [sflag:$0x1] =	stream.indirect.gather [hbm4b:s1+s7], $0x20, s13, s7, $0xb8;
	[tilespmem:$0x10800] =	vst v63  }
0x32: {  	_ = 	snop  }
0x33: {  	[tilespmem:s16], [sflag:$0x1] =	stream.indirect.gather [hbm4b:s1+s7], $0x20, s15, s7, $0xb8;
	[tilespmem:$0x10800] =	vst v63  }
0x34: {  	_ = 	snop  }
0x35: {  	[tilespmem:s18], [sflag:$0x1] =	stream.indirect.gather [hbm4b:s1+s7], $0x20, s17, s7, $0xb8;
	[tilespmem:$0x10800] =	vst v63  }
0x36: {  	_ = 	snop  }
0x37: {  	[tilespmem:s20], [sflag:$0x1] =	stream.indirect.gather [hbm4b:s1+s7], $0x20, s19, s7, $0xb8;
	[tilespmem:$0x10800] =	vst v63  }
0x38: {  	_ = 	snop  }
0x39: {  	[tilespmem:s22], [sflag:$0x1] =	stream.indirect.gather [hbm4b:s1+s7], $0x20, s21, s7, $0xb8;
	[tilespmem:$0x10800] =	vst v63  }
0x3a: {  	_ = 	snop  }
0x3b: {  	[tilespmem:s24], [sflag:$0x1] =	stream.indirect.gather [hbm4b:s1+s7], $0x20, s23, s7, $0xb8;
	[tilespmem:$0x10800] =	vst v63  }
0x3c: {  	_ = 	snop  }
0x3d: {  	[tilespmem:s26], [sflag:$0x1] =	stream.indirect.gather [hbm4b:s1+s7], $0x20, s25, s7, $0xb8;
	[tilespmem:$0x10800] =	vst v63  }
0x3e: {  	_ = 	snop  }
0x3f: {  	[tilespmem:s29], [sflag:$0x1] =	stream.indirect.gather [hbm4b:s1+s7], $0x20, s28, s7, $0xb8;
	[tilespmem:$0x10800] =	vst v63  }
0x40: {  	_ =	swait.ge [sflag:s30], $0x1000  }
0x41: {  	[sflag:s30] =	ssyncset.done $0x0  }
0x42: {  	[sflag:s30] =	ssyncadd.s32 $0xFFFFF000  }
0x43: {  	_ =	swait.ge [sflag:s30], $0x1000  }
0x44: {  	[sflag:s30] =	ssyncset.done $0x0  }
0x45: {  	[sflag:s30] =	ssyncadd.s32 $0xFFFFF000  }
0x46: {  	_ =	swait.ge [sflag:s30], $0x1000  }
0x47: {  	[sflag:s30] =	ssyncset.done $0x0  }
0x48: {  	[sflag:s30] =	ssyncadd.s32 $0xFFFFF000  }
0x49: {  	_ =	swait.ge [sflag:s30], $0x1000  }
0x4a: {  	[sflag:s30] =	ssyncset.done $0x0  }
0x4b: {  	[sflag:s30] =	ssyncadd.s32 $0xFFFFF000  }
0x4c: {  	_ =	swait.ge [sflag:s30], $0x1000  }
0x4d: {  	[sflag:s30] =	ssyncset.done $0x0  }
0x4e: {  	[sflag:s30] =	ssyncadd.s32 $0xFFFFF000  }
0x4f: {  	_ =	swait.ge [sflag:s30], $0x1000  }
0x50: {  	[sflag:s30] =	ssyncset.done $0x0  }
0x51: {  	[sflag:s30] =	ssyncadd.s32 $0xFFFFF000  }
0x52: {  	_ =	swait.ge [sflag:s30], $0x1000  }
0x53: {  	[sflag:s30] =	ssyncset.done $0x0  }
0x54: {  	[sflag:s30] =	ssyncadd.s32 $0xFFFFF000  }
0x55: {  	_ =	swait.ge [sflag:s30], $0x1000  }
0x56: {  	[sflag:s30] =	ssyncset.done $0x0  }
0x57: {  	[sflag:s30] =	ssyncadd.s32 $0xFFFFF000  }
0x58: {  	_ =	swait.ge [sflag:s30], $0x1000  }
0x59: {  	[sflag:s30] =	ssyncset.done $0x0  }
0x5a: {  	[sflag:s30] =	ssyncadd.s32 $0xFFFFF000  }
0x5b: {  	_ =	swait.ge [sflag:s30], $0x1000  }
0x5c: {  	[sflag:s30] =	ssyncset.done $0x0  }
0x5d: {  	[sflag:s30] =	ssyncadd.s32 $0xFFFFF000  }
0x5e: {  	_ =	swait.ge [sflag:s30], $0x1000  }
0x5f: {  	[sflag:s30] =	ssyncset.done $0x0  }
0x60: {  	[sflag:s30] =	ssyncadd.s32 $0xFFFFF000  }
0x61: {  	_ =	swait.ge [sflag:s30], $0x1000  }
0x62: {  	[sflag:s30] =	ssyncset.done $0x0  }
0x63: {  	[sflag:s30] =	ssyncadd.s32 $0xFFFFF000  }
0x64: {  	_ =	swait.ge [sflag:s30], $0x1000  }
0x65: {  	[sflag:s30] =	ssyncset.done $0x0  }
0x66: {  	[sflag:s30] =	ssyncadd.s32 $0xFFFFF000  }
0x67: {  	_ =	swait.ge [sflag:s30], $0x1000  }
0x68: {  	[sflag:s30] =	ssyncset.done $0x0  }
0x69: {  	[sflag:s30] =	ssyncadd.s32 $0xFFFFF000  }
0x6a: {  	_ =	swait.ge [sflag:s30], $0x1000  }
0x6b: {  	[sflag:s30] =	ssyncset.done $0x0  }
0x6c: {  	[sflag:s30] =	ssyncadd.s32 $0xFFFFF000  }
0x6d: {  	_ =	swait.ge [sflag:s30], $0x1000  }
0x6e: {  	[sflag:s30] =	ssyncset.done $0x0;
	s5 =	rddreg [dreg:$0xf]  }
0x6f: {  	s2 =	simm.s32 $0x100;
	[sflag:s30] =	ssyncadd.s32 $0xFFFFF000;
	s0 =	sadd.s32 $0x2000, s5  }
.LBB2_2:
0x70: {  	[hbm4b:s5+s3] =	stream.linear.scatter [tilespmem:s8], [sflag:$0x2], $0x10000, $0x38;
	[tilespmem:$0x10800] =	vst v63  }
0x71: {  	_ =	swait.ge [sflag:s6], $0x10000  }
0x72: {  	s4 =	smov.u32 s2;
	s31 =	rddreg [dreg:$0x4];
	[sflag:s6] =	ssyncset.done $0x0  }
0x73: {  	[sflag:s6] =	ssyncadd.s32 $0xFFFF0000;
	s4 =	sadd.s32 s4, s31  }
0x74: {  	[tilespmem:s3], [sflag:$0x2] =	stream.linear.gather [hbm4b:s4+s3], $0x800, $0x38;
	[tilespmem:$0x10800] =	vst v63  }
0x75: {  	_ =	swait.ge [sflag:s6], $0x800  }
0x76: {  	s4 =	rddreg [dreg:$0xd]  }
0x77: {  	s31 =	rddreg [dreg:$0xb]  }
0x78: {  	[sflag:s6] =	ssyncset.done $0x0;
	s9 =	rddreg [dreg:$0x6]  }
0x79: {  	s10 =	rddreg [dreg:$0x5];
	[sflag:s6] =	ssyncadd.s32 $0xFFFFF800  }
0x7a: {  	[tilespmem:s8], [sflag:$0x1] =	stream.indirect.gather [hbm4b:s1+s7], $0x20, s3, s7, $0xb8;
	[tilespmem:$0x10800] =	vst v63  }
0x7b: {  	s11 =	rddreg [dreg:$0x7]  }
0x7c: {  	[tilespmem:s10], [sflag:$0x1] =	stream.indirect.gather [hbm4b:s1+s7], $0x20, s7, s7, $0xb8;
	[tilespmem:$0x10800] =	vst v63  }
0x7d: {  	s12 =	rddreg [dreg:$0x9]  }
0x7e: {  	[tilespmem:s11], [sflag:$0x1] =	stream.indirect.gather [hbm4b:s1+s7], $0x20, s9, s7, $0xb8;
	[tilespmem:$0x10800] =	vst v63  }
0x7f: {  	s10 =	rddreg [dreg:$0x8]  }
0x80: {  	[tilespmem:s12], [sflag:$0x1] =	stream.indirect.gather [hbm4b:s1+s7], $0x20, s10, s7, $0xb8;
	[tilespmem:$0x10800] =	vst v63  }
0x81: {  	s9 =	rddreg [dreg:$0xa]  }
0x82: {  	[tilespmem:s31], [sflag:$0x1] =	stream.indirect.gather [hbm4b:s1+s7], $0x20, s9, s7, $0xb8;
	[tilespmem:$0x10800] =	vst v63  }
0x83: {  	s10 =	rddreg [dreg:$0xc]  }
0x84: {  	[tilespmem:s4], [sflag:$0x1] =	stream.indirect.gather [hbm4b:s1+s7], $0x20, s10, s7, $0xb8;
	[tilespmem:$0x10800] =	vst v63  }
0x85: {  	s9 =	simm.s32 $0x300;
	s10 =	simm.s32 $0x6800  }
0x86: {  	[tilespmem:s10], [sflag:$0x1] =	stream.indirect.gather [hbm4b:s1+s7], $0x20, s9, s7, $0xb8;
	[tilespmem:$0x10800] =	vst v63  }
0x87: {  	s11 =	simm.s32 $0x380;
	s12 =	simm.s32 $0x7800  }
0x88: {  	[tilespmem:s12], [sflag:$0x1] =	stream.indirect.gather [hbm4b:s1+s7], $0x20, s11, s7, $0xb8;
	[tilespmem:$0x10800] =	vst v63  }
0x89: {  	_ = 	snop  }
0x8a: {  	[tilespmem:s14], [sflag:$0x1] =	stream.indirect.gather [hbm4b:s1+s7], $0x20, s13, s7, $0xb8;
	[tilespmem:$0x10800] =	vst v63  }
0x8b: {  	_ = 	snop  }
0x8c: {  	[tilespmem:s16], [sflag:$0x1] =	stream.indirect.gather [hbm4b:s1+s7], $0x20, s15, s7, $0xb8;
	[tilespmem:$0x10800] =	vst v63  }
0x8d: {  	_ = 	snop  }
0x8e: {  	[tilespmem:s18], [sflag:$0x1] =	stream.indirect.gather [hbm4b:s1+s7], $0x20, s17, s7, $0xb8;
	[tilespmem:$0x10800] =	vst v63  }
0x8f: {  	_ = 	snop  }
0x90: {  	[tilespmem:s20], [sflag:$0x1] =	stream.indirect.gather [hbm4b:s1+s7], $0x20, s19, s7, $0xb8;
	[tilespmem:$0x10800] =	vst v63  }
0x91: {  	_ = 	snop  }
0x92: {  	[tilespmem:s22], [sflag:$0x1] =	stream.indirect.gather [hbm4b:s1+s7], $0x20, s21, s7, $0xb8;
	[tilespmem:$0x10800] =	vst v63  }
0x93: {  	_ = 	snop  }
0x94: {  	[tilespmem:s24], [sflag:$0x1] =	stream.indirect.gather [hbm4b:s1+s7], $0x20, s23, s7, $0xb8;
	[tilespmem:$0x10800] =	vst v63  }
0x95: {  	_ = 	snop  }
0x96: {  	[tilespmem:s26], [sflag:$0x1] =	stream.indirect.gather [hbm4b:s1+s7], $0x20, s25, s7, $0xb8;
	[tilespmem:$0x10800] =	vst v63  }
0x97: {  	_ = 	snop  }
0x98: {  	[tilespmem:s29], [sflag:$0x1] =	stream.indirect.gather [hbm4b:s1+s7], $0x20, s28, s7, $0xb8;
	[tilespmem:$0x10800] =	vst v63  }
0x99: {  	_ =	swait.ge [sflag:s30], $0x1000  }
0x9a: {  	[sflag:s30] =	ssyncset.done $0x0  }
0x9b: {  	[sflag:s30] =	ssyncadd.s32 $0xFFFFF000  }
0x9c: {  	_ =	swait.ge [sflag:s30], $0x1000  }
0x9d: {  	[sflag:s30] =	ssyncset.done $0x0  }
0x9e: {  	[sflag:s30] =	ssyncadd.s32 $0xFFFFF000  }
0x9f: {  	_ =	swait.ge [sflag:s30], $0x1000  }
0xa0: {  	[sflag:s30] =	ssyncset.done $0x0  }
0xa1: {  	[sflag:s30] =	ssyncadd.s32 $0xFFFFF000  }
0xa2: {  	_ =	swait.ge [sflag:s30], $0x1000  }
0xa3: {  	[sflag:s30] =	ssyncset.done $0x0  }
0xa4: {  	[sflag:s30] =	ssyncadd.s32 $0xFFFFF000  }
0xa5: {  	_ =	swait.ge [sflag:s30], $0x1000  }
0xa6: {  	[sflag:s30] =	ssyncset.done $0x0  }
0xa7: {  	[sflag:s30] =	ssyncadd.s32 $0xFFFFF000  }
0xa8: {  	_ =	swait.ge [sflag:s30], $0x1000  }
0xa9: {  	[sflag:s30] =	ssyncset.done $0x0  }
0xaa: {  	[sflag:s30] =	ssyncadd.s32 $0xFFFFF000  }
0xab: {  	_ =	swait.ge [sflag:s30], $0x1000  }
0xac: {  	[sflag:s30] =	ssyncset.done $0x0  }
0xad: {  	[sflag:s30] =	ssyncadd.s32 $0xFFFFF000  }
0xae: {  	_ =	swait.ge [sflag:s30], $0x1000  }
0xaf: {  	[sflag:s30] =	ssyncset.done $0x0  }
0xb0: {  	[sflag:s30] =	ssyncadd.s32 $0xFFFFF000  }
0xb1: {  	_ =	swait.ge [sflag:s30], $0x1000  }
0xb2: {  	[sflag:s30] =	ssyncset.done $0x0  }
0xb3: {  	[sflag:s30] =	ssyncadd.s32 $0xFFFFF000  }
0xb4: {  	_ =	swait.ge [sflag:s30], $0x1000  }
0xb5: {  	[sflag:s30] =	ssyncset.done $0x0  }
0xb6: {  	[sflag:s30] =	ssyncadd.s32 $0xFFFFF000  }
0xb7: {  	_ =	swait.ge [sflag:s30], $0x1000  }
0xb8: {  	[sflag:s30] =	ssyncset.done $0x0  }
0xb9: {  	[sflag:s30] =	ssyncadd.s32 $0xFFFFF000  }
0xba: {  	_ =	swait.ge [sflag:s30], $0x1000  }
0xbb: {  	[sflag:s30] =	ssyncset.done $0x0  }
0xbc: {  	[sflag:s30] =	ssyncadd.s32 $0xFFFFF000  }
0xbd: {  	_ =	swait.ge [sflag:s30], $0x1000  }
0xbe: {  	[sflag:s30] =	ssyncset.done $0x0  }
0xbf: {  	[sflag:s30] =	ssyncadd.s32 $0xFFFFF000  }
0xc0: {  	_ =	swait.ge [sflag:s30], $0x1000  }
0xc1: {  	[sflag:s30] =	ssyncset.done $0x0  }
0xc2: {  	[sflag:s30] =	ssyncadd.s32 $0xFFFFF000  }
0xc3: {  	p0 =	sne.s32 s2, $0x200;
	_ =	swait.ge [sflag:s30], $0x1000  }
.Ltmp0:
0xc4: {  	[sflag:s30] =	ssyncset.done $0x0;
	(pc) =	sbr.rel @p0 .LBB2_2-.Ltmp0, $4  }
0xc5: {  	[sflag:s30] =	ssyncadd.s32 $0xFFFFF000  }
0xc6: {  	_ =	swait.ge [sflag:s30], $0x1000  }
0xc7: {  	s5 =	smov.u32 s0;
	[sflag:s30] =	ssyncset.done $0x0  }
0xc8: {  	s2 =	sadd.s32 $0x100, s2;
	s0 =	sadd.s32 $0x2000, s0;
	[sflag:s30] =	ssyncadd.s32 $0xFFFFF000  }
0xc9: {  	[hbm4b:s5+s3] =	stream.linear.scatter [tilespmem:s8], [sflag:$0x2], $0x10000, $0x38;
	[tilespmem:$0x10800] =	vst v63  }
0xca: {  	_ =	swait.ge [sflag:s6], $0x10000  }
0xcb: {  	s2 =	rddreg [dreg:$0x10]  }
0xcc: {  	s0 =	rddreg [dreg:$0xe];
	s2 =	sadd.s32 $0x1, s2  }
0xcd: {  	p0 =	sne.s32 s2, s0  }
.Ltmp1:
0xce: {  	_ = 	snop;
	(pc) =	sbr.rel @p0 .LBB2_1-.Ltmp1, $3  }
0xcf: {  	_ =	sdelay $0x1  }
0xd0: {  	[sflag:s6] =	ssyncset.done $0x0  }
0xd1: {  	[sflag:s6] =	ssyncadd.s32 $0xFFFF0000  }
0xd2: {  	_ =	sfence.sel $0x180000  }
0xd3: {  	[bflag:$0x0] =	sbarrier.arrive $0xFFFF  }
0xd4: {  	_ =	strace $0x90000047  }
0xd5: {  	s0 =	stileid.u32;
	[bflag:$0x2] =	sbarrier.arrive $0xFFFF  }
0xd6: {  	p0 =	sne.s32 s0, $0x0;
	s0 =	rddreg [dreg:$0x3]  }
0xd7: {  	s0 =	sadd.s32 @!p0 $0x100000, s0  }
0xd8: {  	[sflag:s0] =	ssyncadd.tile.s32 @!p0 $0x1;
	_ =	shalt  }
.Lfunc_end2:
_tile_overlayer_lowered:
.L_overlay_start_2:
0xd9: {  	(tag) =	ssettag $0x2  }
0xda: {  	s0 =	rddreg [dreg:$0x0];
	s2 =	stileid.u32  }
0xdb: {  	s1 =	rddreg [dreg:$0x1];
	p0 =	sne.s32 s2, $0x0  }
0xdc: {  	s3 =	rddreg [dreg:$0x2];
	[bflag:$0x3] =	sbarrier.arrive $0xFFFF;
	s2 =	simm.s32 @!p0 $0x1C02  }
0xdd: {  	[timem:s3], [sflag:s2] =	dma.local @!p0 [hbm:s0], s1  }
0xde: {  	s0 =	simm.s32 @!p0 $0x2  }
0xdf: {  	_ =	swait.ge @!p0 [sflag:s0], s1  }
0xe0: {  	s1 =	ssub.s32 @!p0 $0x0, s1;
	[sflag:s0] =	ssyncset.done @!p0 $0x0  }
0xe1: {  	[sflag:s0] =	ssyncadd.s32 @!p0 s1  }
0xe2: {  	[bflag:$0x3] =	sbarrier.arrive $0xFFFF  }
0xe3: {  	_ =	shalt  }

</sc_bundles>
